<compile_context>
chip_gen: v7x
topology: tpu7x:2x2x1
jax: 0.10.2.dev20260603
libtpu: 0.0.44.dev20260713+nightly
codegen_flags: <defaults>
</compile_context>

<pallas_src>
import jax
import jax.numpy as jnp
from jax import lax
from jax.experimental import pallas as pl
from jax.experimental.pallas import tpu as pltpu
from jax.experimental.pallas import tpu_sc as plsc

TASKS = 1_000_000
DIM = 16
BATCH = 16384
CLIP = 1.0

_info = plsc.get_sparse_core_info()
_NC, _NS, _L = _info.num_cores, _info.num_subcores, _info.num_lanes
_NW = _NC * _NS
_BPW = BATCH // _NW
_NSEM = 8


def _sc_body(tbl_hbm, idx_hbm, out_hbm, idx_v, rows_v, *sems):
    wid = lax.axis_index("s") * _NC + lax.axis_index("c")
    base = wid * _BPW
    pltpu.sync_copy(idx_hbm.at[pl.ds(base, _BPW)], idx_v)

    def issue(c, _):
        o = pl.multiple_of(c * 16, 16)
        v = idx_v[pl.ds(o, 16)]
        for j in range(16):
            pltpu.async_copy(
                tbl_hbm.at[v[j]], rows_v.at[o + j], sems[j % _NSEM]
            )
        return 0

    lax.fori_loop(0, _BPW // 16, issue, 0)

    def drain(c, _):
        for s in range(_NSEM):
            pltpu.make_async_copy(tbl_hbm.at[0], rows_v.at[0], sems[s]).wait()
        return 0

    lax.fori_loop(0, _BPW // _NSEM, drain, 0)

    def clip_rows(i, _):
        o = pl.multiple_of(i * 8, 8)
        for j in range(8):
            rows_v[o + j] = jnp.minimum(jnp.maximum(rows_v[o + j], -CLIP), CLIP)
        return 0

    lax.fori_loop(0, _BPW // 8, clip_rows, 0)

    pltpu.sync_copy(rows_v, out_hbm.at[pl.ds(base, _BPW)])


@jax.jit
def _gather_clip(table, idx_flat):
    mesh = plsc.VectorSubcoreMesh(core_axis_name="c", subcore_axis_name="s")
    kfn = pl.kernel(
        _sc_body,
        mesh=mesh,
        out_type=jax.ShapeDtypeStruct((BATCH, DIM), jnp.float32),
        scratch_types=[
            pltpu.VMEM((_BPW,), jnp.int32),
            pltpu.VMEM((_BPW, DIM), jnp.float32),
        ]
        + [pltpu.SemaphoreType.DMA] * _NSEM,
        compiler_params=pltpu.CompilerParams(use_tc_tiling_on_sc=True),
    )
    return kfn(table, idx_flat)


def kernel(idx, context_hat):
    return _gather_clip(context_hat, idx[..., 0])

# --- scband reference (transcript-rebuilt; emitter-appended) ---
"""Pipeline reference for scband-context-model-26199300506083 (READ-ONLY COPY).

The authoritative reference and input builder live on the scoring server;
editing this copy changes nothing except your own understanding.
"""

import jax, jax.numpy as jnp
import numpy as np

TASK_NUM = 1000000
MAX_CONTEXT_DIM = 16
BATCH = 16384
INIT_SCALE = 0.02
CONTEXT_CLIP = 1.0


def setup_inputs(seed: int = 0) -> dict:
    key = jax.random.key(seed)
    k_idx, k_tab = jax.random.split(key)
    idx = jax.random.randint(k_idx, (BATCH, 1), 0, TASK_NUM, dtype=jnp.int32)
    context_hat = jax.random.normal(k_tab, (TASK_NUM, MAX_CONTEXT_DIM), dtype=jnp.float32) * INIT_SCALE
    return {"idx": idx, "context_hat": context_hat}


def reference(idx, context_hat):
    # fixed_idx is None -> context_hat property just clamps the parameter
    ch = jnp.clip(context_hat, -CONTEXT_CLIP, CONTEXT_CLIP)
    # forward: gather rows by idx[..., 0]
    return jnp.take(ch, idx[..., 0], axis=0)

if __name__ == "__main__":
    import jax
    _d = setup_inputs()
    print(jax.jit(kernel)(*tuple(_d.values())))

</pallas_src>

<mosaic_0001>
#map = affine_map<(d0, d1) -> (0, 0)>
#map1 = affine_map<(d0, d1) -> (0)>
module attributes {stable_mosaic.version = 14 : i64} {
  func.func @_sc_body(%arg0: i32, %arg1: i32, %arg2: memref<1000000x16xf32, #tpu.memory_space<hbm>>, %arg3: memref<16384xi32, #tpu.memory_space<hbm>>, %arg4: memref<16384x16xf32, #tpu.memory_space<hbm>>, %arg5: memref<512xi32, #tpu.memory_space<vmem>>, %arg6: memref<512x16xf32, #tpu.memory_space<vmem>>, %arg7: memref<!tpu.dma_semaphore, #tpu.memory_space<semaphore_mem>>, %arg8: memref<!tpu.dma_semaphore, #tpu.memory_space<semaphore_mem>>, %arg9: memref<!tpu.dma_semaphore, #tpu.memory_space<semaphore_mem>>, %arg10: memref<!tpu.dma_semaphore, #tpu.memory_space<semaphore_mem>>, %arg11: memref<!tpu.dma_semaphore, #tpu.memory_space<semaphore_mem>>, %arg12: memref<!tpu.dma_semaphore, #tpu.memory_space<semaphore_mem>>, %arg13: memref<!tpu.dma_semaphore, #tpu.memory_space<semaphore_mem>>, %arg14: memref<!tpu.dma_semaphore, #tpu.memory_space<semaphore_mem>>) attributes {dimension_semantics = [#tpu.dimension_semantics<core_parallel>, #tpu.dimension_semantics<subcore_parallel>], iteration_bounds = array<i64: 2, 16>, scalar_prefetch = 0 : i64, scratch_operands = 10 : i64, tpu.core_type = #tpu.core_type<sc_vector_subcore>, window_params = [{transform_indices = #map}, {transform_indices = #map1}, {transform_indices = #map}]} {
    %mul3A = arith.constant 2 : i32
    %mul3A_0 = arith.muli %arg1, %mul3A : i32
    %add3A = arith.addi %mul3A_0, %arg0 : i32
    %mul3A_1 = arith.constant 512 : i32
    %mul3A_2 = arith.muli %add3A, %mul3A_1 : i32
    "tpu.region"() ({
      %run_scoped3A = tpu.sem_alloc : memref<!tpu.dma_semaphore, #tpu.memory_space<semaphore_mem>>
      %dma_start3A = tpu.memref_slice %arg3[%mul3A_2] : memref<16384xi32, #tpu.memory_space<hbm>> -> memref<512xi32, #tpu.memory_space<hbm>>
      %dma_start3A_23 = tpu.memref_slice %arg3[%mul3A_2] : memref<16384xi32, #tpu.memory_space<hbm>> -> memref<512xi32, #tpu.memory_space<hbm>>
      tpu.enqueue_dma source(%dma_start3A_23 : memref<512xi32, #tpu.memory_space<hbm>>) target(%arg5 : memref<512xi32, #tpu.memory_space<vmem>>) target_semaphore(%run_scoped3A : memref<!tpu.dma_semaphore, #tpu.memory_space<semaphore_mem>>)
      %dma_wait3A = tpu.memref_slice %arg3[%mul3A_2] : memref<16384xi32, #tpu.memory_space<hbm>> -> memref<512xi32, #tpu.memory_space<hbm>>
      %dma_wait3A_24 = tpu.memref_slice %arg3[%mul3A_2] : memref<16384xi32, #tpu.memory_space<hbm>> -> memref<512xi32, #tpu.memory_space<hbm>>
      tpu.wait_dma2 semaphore(%run_scoped3A : memref<!tpu.dma_semaphore, #tpu.memory_space<semaphore_mem>>) src(%dma_wait3A_24 : memref<512xi32, #tpu.memory_space<hbm>>) dst(%arg5 : memref<512xi32, #tpu.memory_space<vmem>>)
      tpu.yield
    }) : () -> ()
    %scan3A = arith.constant 0 : i32
    %scan3A_3 = arith.constant 0 : i32
    %scan3A_4 = arith.constant 32 : i32
    %scan3A_5 = arith.addi %scan3A_3, %scan3A_4 : i32
    %scan3A_6 = arith.constant 1 : i32
    %scan3A_7 = scf.for %scan3A_23 = %scan3A_3 to %scan3A_5 step %scan3A_6 iter_args(%scan3A_24 = %scan3A) -> (i32)  : i32 {
      %mul3A_25 = arith.constant 16 : i32
      %mul3A_26 = arith.muli %scan3A_23, %mul3A_25 : i32
      %multiple_of3A = tpu.assume_multiple %mul3A_26, 16 : i32
      %get3A = arith.index_cast %multiple_of3A : i32 to index
      %get3A_27 = tpu.vector_load %arg5[%get3A] {strides = array<i32>} : memref<512xi32, #tpu.memory_space<vmem>>, vector<16xi32>,
      %get3A_28 = vector.shape_cast %get3A_27 : vector<16xi32> to vector<16xi32>
      %slice3A = vector.extract_strided_slice %get3A_28 {offsets = [0], sizes = [1], strides = [1]} : vector<16xi32> to vector<1xi32>
      %squeeze3A = vector.extract %slice3A[0] : i32 from vector<1xi32>
      %add3A_29 = arith.constant 0 : i32
      %add3A_30 = arith.addi %multiple_of3A, %add3A_29 : i32
      %dma_start3A = arith.constant 0 : i32
      %dma_start3A_31 = tpu.memref_slice %arg6[%add3A_30, %dma_start3A] : memref<512x16xf32, #tpu.memory_space<vmem>> -> memref<1x16xf32, #tpu.memory_space<vmem>>
      %dma_start3A_32 = tpu.memref_squeeze %dma_start3A_31 : memref<1x16xf32, #tpu.memory_space<vmem>> -> memref<16xf32, #tpu.memory_space<vmem>>
      %dma_start3A_33 = arith.constant 0 : i32
      %dma_start3A_34 = tpu.memref_slice %arg2[%squeeze3A, %dma_start3A_33] : memref<1000000x16xf32, #tpu.memory_space<hbm>> -> memref<1x16xf32, #tpu.memory_space<hbm>>
      %dma_start3A_35 = tpu.memref_squeeze %dma_start3A_34 : memref<1x16xf32, #tpu.memory_space<hbm>> -> memref<16xf32, #tpu.memory_space<hbm>>
      %dma_start3A_36 = arith.constant 0 : i32
      %dma_start3A_37 = tpu.memref_slice %arg6[%add3A_30, %dma_start3A_36] : memref<512x16xf32, #tpu.memory_space<vmem>> -> memref<1x16xf32, #tpu.memory_space<vmem>>
      %dma_start3A_38 = tpu.memref_squeeze %dma_start3A_37 : memref<1x16xf32, #tpu.memory_space<vmem>> -> memref<16xf32, #tpu.memory_space<vmem>>
      %dma_start3A_39 = arith.constant 0 : i32
      %dma_start3A_40 = tpu.memref_slice %arg2[%squeeze3A, %dma_start3A_39] : memref<1000000x16xf32, #tpu.memory_space<hbm>> -> memref<1x16xf32, #tpu.memory_space<hbm>>
      %dma_start3A_41 = tpu.memref_squeeze %dma_start3A_40 : memref<1x16xf32, #tpu.memory_space<hbm>> -> memref<16xf32, #tpu.memory_space<hbm>>
      tpu.enqueue_dma source(%dma_start3A_41 : memref<16xf32, #tpu.memory_space<hbm>>) target(%dma_start3A_38 : memref<16xf32, #tpu.memory_space<vmem>>) target_semaphore(%arg7 : memref<!tpu.dma_semaphore, #tpu.memory_space<semaphore_mem>>)
      %slice3A_42 = vector.extract_strided_slice %get3A_28 {offsets = [1], sizes = [1], strides = [1]} : vector<16xi32> to vector<1xi32>
      %squeeze3A_43 = vector.extract %slice3A_42[0] : i32 from vector<1xi32>
      %add3A_44 = arith.constant 1 : i32
      %add3A_45 = arith.addi %multiple_of3A, %add3A_44 : i32
      %dma_start3A_46 = arith.constant 0 : i32
      %dma_start3A_47 = tpu.memref_slice %arg6[%add3A_45, %dma_start3A_46] : memref<512x16xf32, #tpu.memory_space<vmem>> -> memref<1x16xf32, #tpu.memory_space<vmem>>
      %dma_start3A_48 = tpu.memref_squeeze %dma_start3A_47 : memref<1x16xf32, #tpu.memory_space<vmem>> -> memref<16xf32, #tpu.memory_space<vmem>>
      %dma_start3A_49 = arith.constant 0 : i32
      %dma_start3A_50 = tpu.memref_slice %arg2[%squeeze3A_43, %dma_start3A_49] : memref<1000000x16xf32, #tpu.memory_space<hbm>> -> memref<1x16xf32, #tpu.memory_space<hbm>>
      %dma_start3A_51 = tpu.memref_squeeze %dma_start3A_50 : memref<1x16xf32, #tpu.memory_space<hbm>> -> memref<16xf32, #tpu.memory_space<hbm>>
      %dma_start3A_52 = arith.constant 0 : i32
      %dma_start3A_53 = tpu.memref_slice %arg6[%add3A_45, %dma_start3A_52] : memref<512x16xf32, #tpu.memory_space<vmem>> -> memref<1x16xf32, #tpu.memory_space<vmem>>
      %dma_start3A_54 = tpu.memref_squeeze %dma_start3A_53 : memref<1x16xf32, #tpu.memory_space<vmem>> -> memref<16xf32, #tpu.memory_space<vmem>>
      %dma_start3A_55 = arith.constant 0 : i32
      %dma_start3A_56 = tpu.memref_slice %arg2[%squeeze3A_43, %dma_start3A_55] : memref<1000000x16xf32, #tpu.memory_space<hbm>> -> memref<1x16xf32, #tpu.memory_space<hbm>>
      %dma_start3A_57 = tpu.memref_squeeze %dma_start3A_56 : memref<1x16xf32, #tpu.memory_space<hbm>> -> memref<16xf32, #tpu.memory_space<hbm>>
      tpu.enqueue_dma source(%dma_start3A_57 : memref<16xf32, #tpu.memory_space<hbm>>) target(%dma_start3A_54 : memref<16xf32, #tpu.memory_space<vmem>>) target_semaphore(%arg8 : memref<!tpu.dma_semaphore, #tpu.memory_space<semaphore_mem>>)
      %slice3A_58 = vector.extract_strided_slice %get3A_28 {offsets = [2], sizes = [1], strides = [1]} : vector<16xi32> to vector<1xi32>
      %squeeze3A_59 = vector.extract %slice3A_58[0] : i32 from vector<1xi32>
      %add3A_60 = arith.constant 2 : i32
      %add3A_61 = arith.addi %multiple_of3A, %add3A_60 : i32
      %dma_start3A_62 = arith.constant 0 : i32
      %dma_start3A_63 = tpu.memref_slice %arg6[%add3A_61, %dma_start3A_62] : memref<512x16xf32, #tpu.memory_space<vmem>> -> memref<1x16xf32, #tpu.memory_space<vmem>>
      %dma_start3A_64 = tpu.memref_squeeze %dma_start3A_63 : memref<1x16xf32, #tpu.memory_space<vmem>> -> memref<16xf32, #tpu.memory_space<vmem>>
      %dma_start3A_65 = arith.constant 0 : i32
      %dma_start3A_66 = tpu.memref_slice %arg2[%squeeze3A_59, %dma_start3A_65] : memref<1000000x16xf32, #tpu.memory_space<hbm>> -> memref<1x16xf32, #tpu.memory_space<hbm>>
      %dma_start3A_67 = tpu.memref_squeeze %dma_start3A_66 : memref<1x16xf32, #tpu.memory_space<hbm>> -> memref<16xf32, #tpu.memory_space<hbm>>
      %dma_start3A_68 = arith.constant 0 : i32
      %dma_start3A_69 = tpu.memref_slice %arg6[%add3A_61, %dma_start3A_68] : memref<512x16xf32, #tpu.memory_space<vmem>> -> memref<1x16xf32, #tpu.memory_space<vmem>>
      %dma_start3A_70 = tpu.memref_squeeze %dma_start3A_69 : memref<1x16xf32, #tpu.memory_space<vmem>> -> memref<16xf32, #tpu.memory_space<vmem>>
      %dma_start3A_71 = arith.constant 0 : i32
      %dma_start3A_72 = tpu.memref_slice %arg2[%squeeze3A_59, %dma_start3A_71] : memref<1000000x16xf32, #tpu.memory_space<hbm>> -> memref<1x16xf32, #tpu.memory_space<hbm>>
      %dma_start3A_73 = tpu.memref_squeeze %dma_start3A_72 : memref<1x16xf32, #tpu.memory_space<hbm>> -> memref<16xf32, #tpu.memory_space<hbm>>
      tpu.enqueue_dma source(%dma_start3A_73 : memref<16xf32, #tpu.memory_space<hbm>>) target(%dma_start3A_70 : memref<16xf32, #tpu.memory_space<vmem>>) target_semaphore(%arg9 : memref<!tpu.dma_semaphore, #tpu.memory_space<semaphore_mem>>)
      %slice3A_74 = vector.extract_strided_slice %get3A_28 {offsets = [3], sizes = [1], strides = [1]} : vector<16xi32> to vector<1xi32>
      %squeeze3A_75 = vector.extract %slice3A_74[0] : i32 from vector<1xi32>
      %add3A_76 = arith.constant 3 : i32
      %add3A_77 = arith.addi %multiple_of3A, %add3A_76 : i32
      %dma_start3A_78 = arith.constant 0 : i32
      %dma_start3A_79 = tpu.memref_slice %arg6[%add3A_77, %dma_start3A_78] : memref<512x16xf32, #tpu.memory_space<vmem>> -> memref<1x16xf32, #tpu.memory_space<vmem>>
      %dma_start3A_80 = tpu.memref_squeeze %dma_start3A_79 : memref<1x16xf32, #tpu.memory_space<vmem>> -> memref<16xf32, #tpu.memory_space<vmem>>
      %dma_start3A_81 = arith.constant 0 : i32
      %dma_start3A_82 = tpu.memref_slice %arg2[%squeeze3A_75, %dma_start3A_81] : memref<1000000x16xf32, #tpu.memory_space<hbm>> -> memref<1x16xf32, #tpu.memory_space<hbm>>
      %dma_start3A_83 = tpu.memref_squeeze %dma_start3A_82 : memref<1x16xf32, #tpu.memory_space<hbm>> -> memref<16xf32, #tpu.memory_space<hbm>>
      %dma_start3A_84 = arith.constant 0 : i32
      %dma_start3A_85 = tpu.memref_slice %arg6[%add3A_77, %dma_start3A_84] : memref<512x16xf32, #tpu.memory_space<vmem>> -> memref<1x16xf32, #tpu.memory_space<vmem>>
      %dma_start3A_86 = tpu.memref_squeeze %dma_start3A_85 : memref<1x16xf32, #tpu.memory_space<vmem>> -> memref<16xf32, #tpu.memory_space<vmem>>
      %dma_start3A_87 = arith.constant 0 : i32
      %dma_start3A_88 = tpu.memref_slice %arg2[%squeeze3A_75, %dma_start3A_87] : memref<1000000x16xf32, #tpu.memory_space<hbm>> -> memref<1x16xf32, #tpu.memory_space<hbm>>
      %dma_start3A_89 = tpu.memref_squeeze %dma_start3A_88 : memref<1x16xf32, #tpu.memory_space<hbm>> -> memref<16xf32, #tpu.memory_space<hbm>>
      tpu.enqueue_dma source(%dma_start3A_89 : memref<16xf32, #tpu.memory_space<hbm>>) target(%dma_start3A_86 : memref<16xf32, #tpu.memory_space<vmem>>) target_semaphore(%arg10 : memref<!tpu.dma_semaphore, #tpu.memory_space<semaphore_mem>>)
      %slice3A_90 = vector.extract_strided_slice %get3A_28 {offsets = [4], sizes = [1], strides = [1]} : vector<16xi32> to vector<1xi32>
      %squeeze3A_91 = vector.extract %slice3A_90[0] : i32 from vector<1xi32>
      %add3A_92 = arith.constant 4 : i32
      %add3A_93 = arith.addi %multiple_of3A, %add3A_92 : i32
      %dma_start3A_94 = arith.constant 0 : i32
      %dma_start3A_95 = tpu.memref_slice %arg6[%add3A_93, %dma_start3A_94] : memref<512x16xf32, #tpu.memory_space<vmem>> -> memref<1x16xf32, #tpu.memory_space<vmem>>
      %dma_start3A_96 = tpu.memref_squeeze %dma_start3A_95 : memref<1x16xf32, #tpu.memory_space<vmem>> -> memref<16xf32, #tpu.memory_space<vmem>>
      %dma_start3A_97 = arith.constant 0 : i32
      %dma_start3A_98 = tpu.memref_slice %arg2[%squeeze3A_91, %dma_start3A_97] : memref<1000000x16xf32, #tpu.memory_space<hbm>> -> memref<1x16xf32, #tpu.memory_space<hbm>>
      %dma_start3A_99 = tpu.memref_squeeze %dma_start3A_98 : memref<1x16xf32, #tpu.memory_space<hbm>> -> memref<16xf32, #tpu.memory_space<hbm>>
      %dma_start3A_100 = arith.constant 0 : i32
      %dma_start3A_101 = tpu.memref_slice %arg6[%add3A_93, %dma_start3A_100] : memref<512x16xf32, #tpu.memory_space<vmem>> -> memref<1x16xf32, #tpu.memory_space<vmem>>
      %dma_start3A_102 = tpu.memref_squeeze %dma_start3A_101 : memref<1x16xf32, #tpu.memory_space<vmem>> -> memref<16xf32, #tpu.memory_space<vmem>>
      %dma_start3A_103 = arith.constant 0 : i32
      %dma_start3A_104 = tpu.memref_slice %arg2[%squeeze3A_91, %dma_start3A_103] : memref<1000000x16xf32, #tpu.memory_space<hbm>> -> memref<1x16xf32, #tpu.memory_space<hbm>>
      %dma_start3A_105 = tpu.memref_squeeze %dma_start3A_104 : memref<1x16xf32, #tpu.memory_space<hbm>> -> memref<16xf32, #tpu.memory_space<hbm>>
      tpu.enqueue_dma source(%dma_start3A_105 : memref<16xf32, #tpu.memory_space<hbm>>) target(%dma_start3A_102 : memref<16xf32, #tpu.memory_space<vmem>>) target_semaphore(%arg11 : memref<!tpu.dma_semaphore, #tpu.memory_space<semaphore_mem>>)
      %slice3A_106 = vector.extract_strided_slice %get3A_28 {offsets = [5], sizes = [1], strides = [1]} : vector<16xi32> to vector<1xi32>
      %squeeze3A_107 = vector.extract %slice3A_106[0] : i32 from vector<1xi32>
      %add3A_108 = arith.constant 5 : i32
      %add3A_109 = arith.addi %multiple_of3A, %add3A_108 : i32
      %dma_start3A_110 = arith.constant 0 : i32
      %dma_start3A_111 = tpu.memref_slice %arg6[%add3A_109, %dma_start3A_110] : memref<512x16xf32, #tpu.memory_space<vmem>> -> memref<1x16xf32, #tpu.memory_space<vmem>>
      %dma_start3A_112 = tpu.memref_squeeze %dma_start3A_111 : memref<1x16xf32, #tpu.memory_space<vmem>> -> memref<16xf32, #tpu.memory_space<vmem>>
      %dma_start3A_113 = arith.constant 0 : i32
      %dma_start3A_114 = tpu.memref_slice %arg2[%squeeze3A_107, %dma_start3A_113] : memref<1000000x16xf32, #tpu.memory_space<hbm>> -> memref<1x16xf32, #tpu.memory_space<hbm>>
      %dma_start3A_115 = tpu.memref_squeeze %dma_start3A_114 : memref<1x16xf32, #tpu.memory_space<hbm>> -> memref<16xf32, #tpu.memory_space<hbm>>
      %dma_start3A_116 = arith.constant 0 : i32
      %dma_start3A_117 = tpu.memref_slice %arg6[%add3A_109, %dma_start3A_116] : memref<512x16xf32, #tpu.memory_space<vmem>> -> memref<1x16xf32, #tpu.memory_space<vmem>>
      %dma_start3A_118 = tpu.memref_squeeze %dma_start3A_117 : memref<1x16xf32, #tpu.memory_space<vmem>> -> memref<16xf32, #tpu.memory_space<vmem>>
      %dma_start3A_119 = arith.constant 0 : i32
      %dma_start3A_120 = tpu.memref_slice %arg2[%squeeze3A_107, %dma_start3A_119] : memref<1000000x16xf32, #tpu.memory_space<hbm>> -> memref<1x16xf32, #tpu.memory_space<hbm>>
      %dma_start3A_121 = tpu.memref_squeeze %dma_start3A_120 : memref<1x16xf32, #tpu.memory_space<hbm>> -> memref<16xf32, #tpu.memory_space<hbm>>
      tpu.enqueue_dma source(%dma_start3A_121 : memref<16xf32, #tpu.memory_space<hbm>>) target(%dma_start3A_118 : memref<16xf32, #tpu.memory_space<vmem>>) target_semaphore(%arg12 : memref<!tpu.dma_semaphore, #tpu.memory_space<semaphore_mem>>)
      %slice3A_122 = vector.extract_strided_slice %get3A_28 {offsets = [6], sizes = [1], strides = [1]} : vector<16xi32> to vector<1xi32>
      %squeeze3A_123 = vector.extract %slice3A_122[0] : i32 from vector<1xi32>
      %add3A_124 = arith.constant 6 : i32
      %add3A_125 = arith.addi %multiple_of3A, %add3A_124 : i32
      %dma_start3A_126 = arith.constant 0 : i32
      %dma_start3A_127 = tpu.memref_slice %arg6[%add3A_125, %dma_start3A_126] : memref<512x16xf32, #tpu.memory_space<vmem>> -> memref<1x16xf32, #tpu.memory_space<vmem>>
      %dma_start3A_128 = tpu.memref_squeeze %dma_start3A_127 : memref<1x16xf32, #tpu.memory_space<vmem>> -> memref<16xf32, #tpu.memory_space<vmem>>
      %dma_start3A_129 = arith.constant 0 : i32
      %dma_start3A_130 = tpu.memref_slice %arg2[%squeeze3A_123, %dma_start3A_129] : memref<1000000x16xf32, #tpu.memory_space<hbm>> -> memref<1x16xf32, #tpu.memory_space<hbm>>
      %dma_start3A_131 = tpu.memref_squeeze %dma_start3A_130 : memref<1x16xf32, #tpu.memory_space<hbm>> -> memref<16xf32, #tpu.memory_space<hbm>>
      %dma_start3A_132 = arith.constant 0 : i32
      %dma_start3A_133 = tpu.memref_slice %arg6[%add3A_125, %dma_start3A_132] : memref<512x16xf32, #tpu.memory_space<vmem>> -> memref<1x16xf32, #tpu.memory_space<vmem>>
      %dma_start3A_134 = tpu.memref_squeeze %dma_start3A_133 : memref<1x16xf32, #tpu.memory_space<vmem>> -> memref<16xf32, #tpu.memory_space<vmem>>
      %dma_start3A_135 = arith.constant 0 : i32
      %dma_start3A_136 = tpu.memref_slice %arg2[%squeeze3A_123, %dma_start3A_135] : memref<1000000x16xf32, #tpu.memory_space<hbm>> -> memref<1x16xf32, #tpu.memory_space<hbm>>
      %dma_start3A_137 = tpu.memref_squeeze %dma_start3A_136 : memref<1x16xf32, #tpu.memory_space<hbm>> -> memref<16xf32, #tpu.memory_space<hbm>>
      tpu.enqueue_dma source(%dma_start3A_137 : memref<16xf32, #tpu.memory_space<hbm>>) target(%dma_start3A_134 : memref<16xf32, #tpu.memory_space<vmem>>) target_semaphore(%arg13 : memref<!tpu.dma_semaphore, #tpu.memory_space<semaphore_mem>>)
      %slice3A_138 = vector.extract_strided_slice %get3A_28 {offsets = [7], sizes = [1], strides = [1]} : vector<16xi32> to vector<1xi32>
      %squeeze3A_139 = vector.extract %slice3A_138[0] : i32 from vector<1xi32>
      %add3A_140 = arith.constant 7 : i32
      %add3A_141 = arith.addi %multiple_of3A, %add3A_140 : i32
      %dma_start3A_142 = arith.constant 0 : i32
      %dma_start3A_143 = tpu.memref_slice %arg6[%add3A_141, %dma_start3A_142] : memref<512x16xf32, #tpu.memory_space<vmem>> -> memref<1x16xf32, #tpu.memory_space<vmem>>
      %dma_start3A_144 = tpu.memref_squeeze %dma_start3A_143 : memref<1x16xf32, #tpu.memory_space<vmem>> -> memref<16xf32, #tpu.memory_space<vmem>>
      %dma_start3A_145 = arith.constant 0 : i32
      %dma_start3A_146 = tpu.memref_slice %arg2[%squeeze3A_139, %dma_start3A_145] : memref<1000000x16xf32, #tpu.memory_space<hbm>> -> memref<1x16xf32, #tpu.memory_space<hbm>>
      %dma_start3A_147 = tpu.memref_squeeze %dma_start3A_146 : memref<1x16xf32, #tpu.memory_space<hbm>> -> memref<16xf32, #tpu.memory_space<hbm>>
      %dma_start3A_148 = arith.constant 0 : i32
      %dma_start3A_149 = tpu.memref_slice %arg6[%add3A_141, %dma_start3A_148] : memref<512x16xf32, #tpu.memory_space<vmem>> -> memref<1x16xf32, #tpu.memory_space<vmem>>
      %dma_start3A_150 = tpu.memref_squeeze %dma_start3A_149 : memref<1x16xf32, #tpu.memory_space<vmem>> -> memref<16xf32, #tpu.memory_space<vmem>>
      %dma_start3A_151 = arith.constant 0 : i32
      %dma_start3A_152 = tpu.memref_slice %arg2[%squeeze3A_139, %dma_start3A_151] : memref<1000000x16xf32, #tpu.memory_space<hbm>> -> memref<1x16xf32, #tpu.memory_space<hbm>>
      %dma_start3A_153 = tpu.memref_squeeze %dma_start3A_152 : memref<1x16xf32, #tpu.memory_space<hbm>> -> memref<16xf32, #tpu.memory_space<hbm>>
      tpu.enqueue_dma source(%dma_start3A_153 : memref<16xf32, #tpu.memory_space<hbm>>) target(%dma_start3A_150 : memref<16xf32, #tpu.memory_space<vmem>>) target_semaphore(%arg14 : memref<!tpu.dma_semaphore, #tpu.memory_space<semaphore_mem>>)
      %slice3A_154 = vector.extract_strided_slice %get3A_28 {offsets = [8], sizes = [1], strides = [1]} : vector<16xi32> to vector<1xi32>
      %squeeze3A_155 = vector.extract %slice3A_154[0] : i32 from vector<1xi32>
      %add3A_156 = arith.constant 8 : i32
      %add3A_157 = arith.addi %multiple_of3A, %add3A_156 : i32
      %dma_start3A_158 = arith.constant 0 : i32
      %dma_start3A_159 = tpu.memref_slice %arg6[%add3A_157, %dma_start3A_158] : memref<512x16xf32, #tpu.memory_space<vmem>> -> memref<1x16xf32, #tpu.memory_space<vmem>>
      %dma_start3A_160 = tpu.memref_squeeze %dma_start3A_159 : memref<1x16xf32, #tpu.memory_space<vmem>> -> memref<16xf32, #tpu.memory_space<vmem>>
      %dma_start3A_161 = arith.constant 0 : i32
      %dma_start3A_162 = tpu.memref_slice %arg2[%squeeze3A_155, %dma_start3A_161] : memref<1000000x16xf32, #tpu.memory_space<hbm>> -> memref<1x16xf32, #tpu.memory_space<hbm>>
      %dma_start3A_163 = tpu.memref_squeeze %dma_start3A_162 : memref<1x16xf32, #tpu.memory_space<hbm>> -> memref<16xf32, #tpu.memory_space<hbm>>
      %dma_start3A_164 = arith.constant 0 : i32
      %dma_start3A_165 = tpu.memref_slice %arg6[%add3A_157, %dma_start3A_164] : memref<512x16xf32, #tpu.memory_space<vmem>> -> memref<1x16xf32, #tpu.memory_space<vmem>>
      %dma_start3A_166 = tpu.memref_squeeze %dma_start3A_165 : memref<1x16xf32, #tpu.memory_space<vmem>> -> memref<16xf32, #tpu.memory_space<vmem>>
      %dma_start3A_167 = arith.constant 0 : i32
      %dma_start3A_168 = tpu.memref_slice %arg2[%squeeze3A_155, %dma_start3A_167] : memref<1000000x16xf32, #tpu.memory_space<hbm>> -> memref<1x16xf32, #tpu.memory_space<hbm>>
      %dma_start3A_169 = tpu.memref_squeeze %dma_start3A_168 : memref<1x16xf32, #tpu.memory_space<hbm>> -> memref<16xf32, #tpu.memory_space<hbm>>
      tpu.enqueue_dma source(%dma_start3A_169 : memref<16xf32, #tpu.memory_space<hbm>>) target(%dma_start3A_166 : memref<16xf32, #tpu.memory_space<vmem>>) target_semaphore(%arg7 : memref<!tpu.dma_semaphore, #tpu.memory_space<semaphore_mem>>)
      %slice3A_170 = vector.extract_strided_slice %get3A_28 {offsets = [9], sizes = [1], strides = [1]} : vector<16xi32> to vector<1xi32>
      %squeeze3A_171 = vector.extract %slice3A_170[0] : i32 from vector<1xi32>
      %add3A_172 = arith.constant 9 : i32
      %add3A_173 = arith.addi %multiple_of3A, %add3A_172 : i32
      %dma_start3A_174 = arith.constant 0 : i32
      %dma_start3A_175 = tpu.memref_slice %arg6[%add3A_173, %dma_start3A_174] : memref<512x16xf32, #tpu.memory_space<vmem>> -> memref<1x16xf32, #tpu.memory_space<vmem>>
      %dma_start3A_176 = tpu.memref_squeeze %dma_start3A_175 : memref<1x16xf32, #tpu.memory_space<vmem>> -> memref<16xf32, #tpu.memory_space<vmem>>
      %dma_start3A_177 = arith.constant 0 : i32
      %dma_start3A_178 = tpu.memref_slice %arg2[%squeeze3A_171, %dma_start3A_177] : memref<1000000x16xf32, #tpu.memory_space<hbm>> -> memref<1x16xf32, #tpu.memory_space<hbm>>
      %dma_start3A_179 = tpu.memref_squeeze %dma_start3A_178 : memref<1x16xf32, #tpu.memory_space<hbm>> -> memref<16xf32, #tpu.memory_space<hbm>>
      %dma_start3A_180 = arith.constant 0 : i32
      %dma_start3A_181 = tpu.memref_slice %arg6[%add3A_173, %dma_start3A_180] : memref<512x16xf32, #tpu.memory_space<vmem>> -> memref<1x16xf32, #tpu.memory_space<vmem>>
      %dma_start3A_182 = tpu.memref_squeeze %dma_start3A_181 : memref<1x16xf32, #tpu.memory_space<vmem>> -> memref<16xf32, #tpu.memory_space<vmem>>
      %dma_start3A_183 = arith.constant 0 : i32
      %dma_start3A_184 = tpu.memref_slice %arg2[%squeeze3A_171, %dma_start3A_183] : memref<1000000x16xf32, #tpu.memory_space<hbm>> -> memref<1x16xf32, #tpu.memory_space<hbm>>
      %dma_start3A_185 = tpu.memref_squeeze %dma_start3A_184 : memref<1x16xf32, #tpu.memory_space<hbm>> -> memref<16xf32, #tpu.memory_space<hbm>>
      tpu.enqueue_dma source(%dma_start3A_185 : memref<16xf32, #tpu.memory_space<hbm>>) target(%dma_start3A_182 : memref<16xf32, #tpu.memory_space<vmem>>) target_semaphore(%arg8 : memref<!tpu.dma_semaphore, #tpu.memory_space<semaphore_mem>>)
      %slice3A_186 = vector.extract_strided_slice %get3A_28 {offsets = [10], sizes = [1], strides = [1]} : vector<16xi32> to vector<1xi32>
      %squeeze3A_187 = vector.extract %slice3A_186[0] : i32 from vector<1xi32>
      %add3A_188 = arith.constant 10 : i32
      %add3A_189 = arith.addi %multiple_of3A, %add3A_188 : i32
      %dma_start3A_190 = arith.constant 0 : i32
      %dma_start3A_191 = tpu.memref_slice %arg6[%add3A_189, %dma_start3A_190] : memref<512x16xf32, #tpu.memory_space<vmem>> -> memref<1x16xf32, #tpu.memory_space<vmem>>
      %dma_start3A_192 = tpu.memref_squeeze %dma_start3A_191 : memref<1x16xf32, #tpu.memory_space<vmem>> -> memref<16xf32, #tpu.memory_space<vmem>>
      %dma_start3A_193 = arith.constant 0 : i32
      %dma_start3A_194 = tpu.memref_slice %arg2[%squeeze3A_187, %dma_start3A_193] : memref<1000000x16xf32, #tpu.memory_space<hbm>> -> memref<1x16xf32, #tpu.memory_space<hbm>>
      %dma_start3A_195 = tpu.memref_squeeze %dma_start3A_194 : memref<1x16xf32, #tpu.memory_space<hbm>> -> memref<16xf32, #tpu.memory_space<hbm>>
      %dma_start3A_196 = arith.constant 0 : i32
      %dma_start3A_197 = tpu.memref_slice %arg6[%add3A_189, %dma_start3A_196] : memref<512x16xf32, #tpu.memory_space<vmem>> -> memref<1x16xf32, #tpu.memory_space<vmem>>
      %dma_start3A_198 = tpu.memref_squeeze %dma_start3A_197 : memref<1x16xf32, #tpu.memory_space<vmem>> -> memref<16xf32, #tpu.memory_space<vmem>>
      %dma_start3A_199 = arith.constant 0 : i32
      %dma_start3A_200 = tpu.memref_slice %arg2[%squeeze3A_187, %dma_start3A_199] : memref<1000000x16xf32, #tpu.memory_space<hbm>> -> memref<1x16xf32, #tpu.memory_space<hbm>>
      %dma_start3A_201 = tpu.memref_squeeze %dma_start3A_200 : memref<1x16xf32, #tpu.memory_space<hbm>> -> memref<16xf32, #tpu.memory_space<hbm>>
      tpu.enqueue_dma source(%dma_start3A_201 : memref<16xf32, #tpu.memory_space<hbm>>) target(%dma_start3A_198 : memref<16xf32, #tpu.memory_space<vmem>>) target_semaphore(%arg9 : memref<!tpu.dma_semaphore, #tpu.memory_space<semaphore_mem>>)
      %slice3A_202 = vector.extract_strided_slice %get3A_28 {offsets = [11], sizes = [1], strides = [1]} : vector<16xi32> to vector<1xi32>
      %squeeze3A_203 = vector.extract %slice3A_202[0] : i32 from vector<1xi32>
      %add3A_204 = arith.constant 11 : i32
      %add3A_205 = arith.addi %multiple_of3A, %add3A_204 : i32
      %dma_start3A_206 = arith.constant 0 : i32
      %dma_start3A_207 = tpu.memref_slice %arg6[%add3A_205, %dma_start3A_206] : memref<512x16xf32, #tpu.memory_space<vmem>> -> memref<1x16xf32, #tpu.memory_space<vmem>>
      %dma_start3A_208 = tpu.memref_squeeze %dma_start3A_207 : memref<1x16xf32, #tpu.memory_space<vmem>> -> memref<16xf32, #tpu.memory_space<vmem>>
      %dma_start3A_209 = arith.constant 0 : i32
      %dma_start3A_210 = tpu.memref_slice %arg2[%squeeze3A_203, %dma_start3A_209] : memref<1000000x16xf32, #tpu.memory_space<hbm>> -> memref<1x16xf32, #tpu.memory_space<hbm>>
      %dma_start3A_211 = tpu.memref_squeeze %dma_start3A_210 : memref<1x16xf32, #tpu.memory_space<hbm>> -> memref<16xf32, #tpu.memory_space<hbm>>
      %dma_start3A_212 = arith.constant 0 : i32
      %dma_start3A_213 = tpu.memref_slice %arg6[%add3A_205, %dma_start3A_212] : memref<512x16xf32, #tpu.memory_space<vmem>> -> memref<1x16xf32, #tpu.memory_space<vmem>>
      %dma_start3A_214 = tpu.memref_squeeze %dma_start3A_213 : memref<1x16xf32, #tpu.memory_space<vmem>> -> memref<16xf32, #tpu.memory_space<vmem>>
      %dma_start3A_215 = arith.constant 0 : i32
      %dma_start3A_216 = tpu.memref_slice %arg2[%squeeze3A_203, %dma_start3A_215] : memref<1000000x16xf32, #tpu.memory_space<hbm>> -> memref<1x16xf32, #tpu.memory_space<hbm>>
      %dma_start3A_217 = tpu.memref_squeeze %dma_start3A_216 : memref<1x16xf32, #tpu.memory_space<hbm>> -> memref<16xf32, #tpu.memory_space<hbm>>
      tpu.enqueue_dma source(%dma_start3A_217 : memref<16xf32, #tpu.memory_space<hbm>>) target(%dma_start3A_214 : memref<16xf32, #tpu.memory_space<vmem>>) target_semaphore(%arg10 : memref<!tpu.dma_semaphore, #tpu.memory_space<semaphore_mem>>)
      %slice3A_218 = vector.extract_strided_slice %get3A_28 {offsets = [12], sizes = [1], strides = [1]} : vector<16xi32> to vector<1xi32>
      %squeeze3A_219 = vector.extract %slice3A_218[0] : i32 from vector<1xi32>
      %add3A_220 = arith.constant 12 : i32
      %add3A_221 = arith.addi %multiple_of3A, %add3A_220 : i32
      %dma_start3A_222 = arith.constant 0 : i32
      %dma_start3A_223 = tpu.memref_slice %arg6[%add3A_221, %dma_start3A_222] : memref<512x16xf32, #tpu.memory_space<vmem>> -> memref<1x16xf32, #tpu.memory_space<vmem>>
      %dma_start3A_224 = tpu.memref_squeeze %dma_start3A_223 : memref<1x16xf32, #tpu.memory_space<vmem>> -> memref<16xf32, #tpu.memory_space<vmem>>
      %dma_start3A_225 = arith.constant 0 : i32
      %dma_start3A_226 = tpu.memref_slice %arg2[%squeeze3A_219, %dma_start3A_225] : memref<1000000x16xf32, #tpu.memory_space<hbm>> -> memref<1x16xf32, #tpu.memory_space<hbm>>
      %dma_start3A_227 = tpu.memref_squeeze %dma_start3A_226 : memref<1x16xf32, #tpu.memory_space<hbm>> -> memref<16xf32, #tpu.memory_space<hbm>>
      %dma_start3A_228 = arith.constant 0 : i32
      %dma_start3A_229 = tpu.memref_slice %arg6[%add3A_221, %dma_start3A_228] : memref<512x16xf32, #tpu.memory_space<vmem>> -> memref<1x16xf32, #tpu.memory_space<vmem>>
      %dma_start3A_230 = tpu.memref_squeeze %dma_start3A_229 : memref<1x16xf32, #tpu.memory_space<vmem>> -> memref<16xf32, #tpu.memory_space<vmem>>
      %dma_start3A_231 = arith.constant 0 : i32
      %dma_start3A_232 = tpu.memref_slice %arg2[%squeeze3A_219, %dma_start3A_231] : memref<1000000x16xf32, #tpu.memory_space<hbm>> -> memref<1x16xf32, #tpu.memory_space<hbm>>
      %dma_start3A_233 = tpu.memref_squeeze %dma_start3A_232 : memref<1x16xf32, #tpu.memory_space<hbm>> -> memref<16xf32, #tpu.memory_space<hbm>>
      tpu.enqueue_dma source(%dma_start3A_233 : memref<16xf32, #tpu.memory_space<hbm>>) target(%dma_start3A_230 : memref<16xf32, #tpu.memory_space<vmem>>) target_semaphore(%arg11 : memref<!tpu.dma_semaphore, #tpu.memory_space<semaphore_mem>>)
      %slice3A_234 = vector.extract_strided_slice %get3A_28 {offsets = [13], sizes = [1], strides = [1]} : vector<16xi32> to vector<1xi32>
      %squeeze3A_235 = vector.extract %slice3A_234[0] : i32 from vector<1xi32>
      %add3A_236 = arith.constant 13 : i32
      %add3A_237 = arith.addi %multiple_of3A, %add3A_236 : i32
      %dma_start3A_238 = arith.constant 0 : i32
      %dma_start3A_239 = tpu.memref_slice %arg6[%add3A_237, %dma_start3A_238] : memref<512x16xf32, #tpu.memory_space<vmem>> -> memref<1x16xf32, #tpu.memory_space<vmem>>
      %dma_start3A_240 = tpu.memref_squeeze %dma_start3A_239 : memref<1x16xf32, #tpu.memory_space<vmem>> -> memref<16xf32, #tpu.memory_space<vmem>>
      %dma_start3A_241 = arith.constant 0 : i32
      %dma_start3A_242 = tpu.memref_slice %arg2[%squeeze3A_235, %dma_start3A_241] : memref<1000000x16xf32, #tpu.memory_space<hbm>> -> memref<1x16xf32, #tpu.memory_space<hbm>>
      %dma_start3A_243 = tpu.memref_squeeze %dma_start3A_242 : memref<1x16xf32, #tpu.memory_space<hbm>> -> memref<16xf32, #tpu.memory_space<hbm>>
      %dma_start3A_244 = arith.constant 0 : i32
      %dma_start3A_245 = tpu.memref_slice %arg6[%add3A_237, %dma_start3A_244] : memref<512x16xf32, #tpu.memory_space<vmem>> -> memref<1x16xf32, #tpu.memory_space<vmem>>
      %dma_start3A_246 = tpu.memref_squeeze %dma_start3A_245 : memref<1x16xf32, #tpu.memory_space<vmem>> -> memref<16xf32, #tpu.memory_space<vmem>>
      %dma_start3A_247 = arith.constant 0 : i32
      %dma_start3A_248 = tpu.memref_slice %arg2[%squeeze3A_235, %dma_start3A_247] : memref<1000000x16xf32, #tpu.memory_space<hbm>> -> memref<1x16xf32, #tpu.memory_space<hbm>>
      %dma_start3A_249 = tpu.memref_squeeze %dma_start3A_248 : memref<1x16xf32, #tpu.memory_space<hbm>> -> memref<16xf32, #tpu.memory_space<hbm>>
      tpu.enqueue_dma source(%dma_start3A_249 : memref<16xf32, #tpu.memory_space<hbm>>) target(%dma_start3A_246 : memref<16xf32, #tpu.memory_space<vmem>>) target_semaphore(%arg12 : memref<!tpu.dma_semaphore, #tpu.memory_space<semaphore_mem>>)
      %slice3A_250 = vector.extract_strided_slice %get3A_28 {offsets = [14], sizes = [1], strides = [1]} : vector<16xi32> to vector<1xi32>
      %squeeze3A_251 = vector.extract %slice3A_250[0] : i32 from vector<1xi32>
      %add3A_252 = arith.constant 14 : i32
      %add3A_253 = arith.addi %multiple_of3A, %add3A_252 : i32
      %dma_start3A_254 = arith.constant 0 : i32
      %dma_start3A_255 = tpu.memref_slice %arg6[%add3A_253, %dma_start3A_254] : memref<512x16xf32, #tpu.memory_space<vmem>> -> memref<1x16xf32, #tpu.memory_space<vmem>>
      %dma_start3A_256 = tpu.memref_squeeze %dma_start3A_255 : memref<1x16xf32, #tpu.memory_space<vmem>> -> memref<16xf32, #tpu.memory_space<vmem>>
      %dma_start3A_257 = arith.constant 0 : i32
      %dma_start3A_258 = tpu.memref_slice %arg2[%squeeze3A_251, %dma_start3A_257] : memref<1000000x16xf32, #tpu.memory_space<hbm>> -> memref<1x16xf32, #tpu.memory_space<hbm>>
      %dma_start3A_259 = tpu.memref_squeeze %dma_start3A_258 : memref<1x16xf32, #tpu.memory_space<hbm>> -> memref<16xf32, #tpu.memory_space<hbm>>
      %dma_start3A_260 = arith.constant 0 : i32
      %dma_start3A_261 = tpu.memref_slice %arg6[%add3A_253, %dma_start3A_260] : memref<512x16xf32, #tpu.memory_space<vmem>> -> memref<1x16xf32, #tpu.memory_space<vmem>>
      %dma_start3A_262 = tpu.memref_squeeze %dma_start3A_261 : memref<1x16xf32, #tpu.memory_space<vmem>> -> memref<16xf32, #tpu.memory_space<vmem>>
      %dma_start3A_263 = arith.constant 0 : i32
      %dma_start3A_264 = tpu.memref_slice %arg2[%squeeze3A_251, %dma_start3A_263] : memref<1000000x16xf32, #tpu.memory_space<hbm>> -> memref<1x16xf32, #tpu.memory_space<hbm>>
      %dma_start3A_265 = tpu.memref_squeeze %dma_start3A_264 : memref<1x16xf32, #tpu.memory_space<hbm>> -> memref<16xf32, #tpu.memory_space<hbm>>
      tpu.enqueue_dma source(%dma_start3A_265 : memref<16xf32, #tpu.memory_space<hbm>>) target(%dma_start3A_262 : memref<16xf32, #tpu.memory_space<vmem>>) target_semaphore(%arg13 : memref<!tpu.dma_semaphore, #tpu.memory_space<semaphore_mem>>)
      %slice3A_266 = vector.extract_strided_slice %get3A_28 {offsets = [15], sizes = [1], strides = [1]} : vector<16xi32> to vector<1xi32>
      %squeeze3A_267 = vector.extract %slice3A_266[0] : i32 from vector<1xi32>
      %add3A_268 = arith.constant 15 : i32
      %add3A_269 = arith.addi %multiple_of3A, %add3A_268 : i32
      %dma_start3A_270 = arith.constant 0 : i32
      %dma_start3A_271 = tpu.memref_slice %arg6[%add3A_269, %dma_start3A_270] : memref<512x16xf32, #tpu.memory_space<vmem>> -> memref<1x16xf32, #tpu.memory_space<vmem>>
      %dma_start3A_272 = tpu.memref_squeeze %dma_start3A_271 : memref<1x16xf32, #tpu.memory_space<vmem>> -> memref<16xf32, #tpu.memory_space<vmem>>
      %dma_start3A_273 = arith.constant 0 : i32
      %dma_start3A_274 = tpu.memref_slice %arg2[%squeeze3A_267, %dma_start3A_273] : memref<1000000x16xf32, #tpu.memory_space<hbm>> -> memref<1x16xf32, #tpu.memory_space<hbm>>
      %dma_start3A_275 = tpu.memref_squeeze %dma_start3A_274 : memref<1x16xf32, #tpu.memory_space<hbm>> -> memref<16xf32, #tpu.memory_space<hbm>>
      %dma_start3A_276 = arith.constant 0 : i32
      %dma_start3A_277 = tpu.memref_slice %arg6[%add3A_269, %dma_start3A_276] : memref<512x16xf32, #tpu.memory_space<vmem>> -> memref<1x16xf32, #tpu.memory_space<vmem>>
      %dma_start3A_278 = tpu.memref_squeeze %dma_start3A_277 : memref<1x16xf32, #tpu.memory_space<vmem>> -> memref<16xf32, #tpu.memory_space<vmem>>
      %dma_start3A_279 = arith.constant 0 : i32
      %dma_start3A_280 = tpu.memref_slice %arg2[%squeeze3A_267, %dma_start3A_279] : memref<1000000x16xf32, #tpu.memory_space<hbm>> -> memref<1x16xf32, #tpu.memory_space<hbm>>
      %dma_start3A_281 = tpu.memref_squeeze %dma_start3A_280 : memref<1x16xf32, #tpu.memory_space<hbm>> -> memref<16xf32, #tpu.memory_space<hbm>>
      tpu.enqueue_dma source(%dma_start3A_281 : memref<16xf32, #tpu.memory_space<hbm>>) target(%dma_start3A_278 : memref<16xf32, #tpu.memory_space<vmem>>) target_semaphore(%arg14 : memref<!tpu.dma_semaphore, #tpu.memory_space<semaphore_mem>>)
      %scan3A_282 = arith.constant 0 : i32
      scf.yield %scan3A_282 : i32
    }
    %scan3A_8 = arith.constant 32 : i32
    %scan3A_9 = arith.constant 0 : i32
    %scan3A_10 = arith.constant 0 : i32
    %scan3A_11 = arith.constant 64 : i32
    %scan3A_12 = arith.addi %scan3A_10, %scan3A_11 : i32
    %scan3A_13 = arith.constant 1 : i32
    %scan3A_14 = scf.for %scan3A_23 = %scan3A_10 to %scan3A_12 step %scan3A_13 iter_args(%scan3A_24 = %scan3A_9) -> (i32)  : i32 {
      %dma_wait3A = arith.constant 0 : i32
      %dma_wait3A_25 = arith.constant 0 : i32
      %dma_wait3A_26 = arith.constant 0 : i32
      %dma_wait3A_27 = tpu.memref_slice %arg6[%dma_wait3A_25, %dma_wait3A_26] : memref<512x16xf32, #tpu.memory_space<vmem>> -> memref<1x16xf32, #tpu.memory_space<vmem>>
      %dma_wait3A_28 = tpu.memref_squeeze %dma_wait3A_27 : memref<1x16xf32, #tpu.memory_space<vmem>> -> memref<16xf32, #tpu.memory_space<vmem>>
      %dma_wait3A_29 = arith.constant 0 : i32
      %dma_wait3A_30 = tpu.memref_slice %arg2[%dma_wait3A, %dma_wait3A_29] : memref<1000000x16xf32, #tpu.memory_space<hbm>> -> memref<1x16xf32, #tpu.memory_space<hbm>>
      %dma_wait3A_31 = tpu.memref_squeeze %dma_wait3A_30 : memref<1x16xf32, #tpu.memory_space<hbm>> -> memref<16xf32, #tpu.memory_space<hbm>>
      %dma_wait3A_32 = arith.constant 0 : i32
      %dma_wait3A_33 = tpu.memref_slice %arg6[%dma_wait3A_25, %dma_wait3A_32] : memref<512x16xf32, #tpu.memory_space<vmem>> -> memref<1x16xf32, #tpu.memory_space<vmem>>
      %dma_wait3A_34 = tpu.memref_squeeze %dma_wait3A_33 : memref<1x16xf32, #tpu.memory_space<vmem>> -> memref<16xf32, #tpu.memory_space<vmem>>
      %dma_wait3A_35 = arith.constant 0 : i32
      %dma_wait3A_36 = tpu.memref_slice %arg2[%dma_wait3A, %dma_wait3A_35] : memref<1000000x16xf32, #tpu.memory_space<hbm>> -> memref<1x16xf32, #tpu.memory_space<hbm>>
      %dma_wait3A_37 = tpu.memref_squeeze %dma_wait3A_36 : memref<1x16xf32, #tpu.memory_space<hbm>> -> memref<16xf32, #tpu.memory_space<hbm>>
      tpu.wait_dma2 semaphore(%arg7 : memref<!tpu.dma_semaphore, #tpu.memory_space<semaphore_mem>>) src(%dma_wait3A_37 : memref<16xf32, #tpu.memory_space<hbm>>) dst(%dma_wait3A_34 : memref<16xf32, #tpu.memory_space<vmem>>)
      %dma_wait3A_38 = arith.constant 0 : i32
      %dma_wait3A_39 = arith.constant 0 : i32
      %dma_wait3A_40 = arith.constant 0 : i32
      %dma_wait3A_41 = tpu.memref_slice %arg6[%dma_wait3A_39, %dma_wait3A_40] : memref<512x16xf32, #tpu.memory_space<vmem>> -> memref<1x16xf32, #tpu.memory_space<vmem>>
      %dma_wait3A_42 = tpu.memref_squeeze %dma_wait3A_41 : memref<1x16xf32, #tpu.memory_space<vmem>> -> memref<16xf32, #tpu.memory_space<vmem>>
      %dma_wait3A_43 = arith.constant 0 : i32
      %dma_wait3A_44 = tpu.memref_slice %arg2[%dma_wait3A_38, %dma_wait3A_43] : memref<1000000x16xf32, #tpu.memory_space<hbm>> -> memref<1x16xf32, #tpu.memory_space<hbm>>
      %dma_wait3A_45 = tpu.memref_squeeze %dma_wait3A_44 : memref<1x16xf32, #tpu.memory_space<hbm>> -> memref<16xf32, #tpu.memory_space<hbm>>
      %dma_wait3A_46 = arith.constant 0 : i32
      %dma_wait3A_47 = tpu.memref_slice %arg6[%dma_wait3A_39, %dma_wait3A_46] : memref<512x16xf32, #tpu.memory_space<vmem>> -> memref<1x16xf32, #tpu.memory_space<vmem>>
      %dma_wait3A_48 = tpu.memref_squeeze %dma_wait3A_47 : memref<1x16xf32, #tpu.memory_space<vmem>> -> memref<16xf32, #tpu.memory_space<vmem>>
      %dma_wait3A_49 = arith.constant 0 : i32
      %dma_wait3A_50 = tpu.memref_slice %arg2[%dma_wait3A_38, %dma_wait3A_49] : memref<1000000x16xf32, #tpu.memory_space<hbm>> -> memref<1x16xf32, #tpu.memory_space<hbm>>
      %dma_wait3A_51 = tpu.memref_squeeze %dma_wait3A_50 : memref<1x16xf32, #tpu.memory_space<hbm>> -> memref<16xf32, #tpu.memory_space<hbm>>
      tpu.wait_dma2 semaphore(%arg8 : memref<!tpu.dma_semaphore, #tpu.memory_space<semaphore_mem>>) src(%dma_wait3A_51 : memref<16xf32, #tpu.memory_space<hbm>>) dst(%dma_wait3A_48 : memref<16xf32, #tpu.memory_space<vmem>>)
      %dma_wait3A_52 = arith.constant 0 : i32
      %dma_wait3A_53 = arith.constant 0 : i32
      %dma_wait3A_54 = arith.constant 0 : i32
      %dma_wait3A_55 = tpu.memref_slice %arg6[%dma_wait3A_53, %dma_wait3A_54] : memref<512x16xf32, #tpu.memory_space<vmem>> -> memref<1x16xf32, #tpu.memory_space<vmem>>
      %dma_wait3A_56 = tpu.memref_squeeze %dma_wait3A_55 : memref<1x16xf32, #tpu.memory_space<vmem>> -> memref<16xf32, #tpu.memory_space<vmem>>
      %dma_wait3A_57 = arith.constant 0 : i32
      %dma_wait3A_58 = tpu.memref_slice %arg2[%dma_wait3A_52, %dma_wait3A_57] : memref<1000000x16xf32, #tpu.memory_space<hbm>> -> memref<1x16xf32, #tpu.memory_space<hbm>>
      %dma_wait3A_59 = tpu.memref_squeeze %dma_wait3A_58 : memref<1x16xf32, #tpu.memory_space<hbm>> -> memref<16xf32, #tpu.memory_space<hbm>>
      %dma_wait3A_60 = arith.constant 0 : i32
      %dma_wait3A_61 = tpu.memref_slice %arg6[%dma_wait3A_53, %dma_wait3A_60] : memref<512x16xf32, #tpu.memory_space<vmem>> -> memref<1x16xf32, #tpu.memory_space<vmem>>
      %dma_wait3A_62 = tpu.memref_squeeze %dma_wait3A_61 : memref<1x16xf32, #tpu.memory_space<vmem>> -> memref<16xf32, #tpu.memory_space<vmem>>
      %dma_wait3A_63 = arith.constant 0 : i32
      %dma_wait3A_64 = tpu.memref_slice %arg2[%dma_wait3A_52, %dma_wait3A_63] : memref<1000000x16xf32, #tpu.memory_space<hbm>> -> memref<1x16xf32, #tpu.memory_space<hbm>>
      %dma_wait3A_65 = tpu.memref_squeeze %dma_wait3A_64 : memref<1x16xf32, #tpu.memory_space<hbm>> -> memref<16xf32, #tpu.memory_space<hbm>>
      tpu.wait_dma2 semaphore(%arg9 : memref<!tpu.dma_semaphore, #tpu.memory_space<semaphore_mem>>) src(%dma_wait3A_65 : memref<16xf32, #tpu.memory_space<hbm>>) dst(%dma_wait3A_62 : memref<16xf32, #tpu.memory_space<vmem>>)
      %dma_wait3A_66 = arith.constant 0 : i32
      %dma_wait3A_67 = arith.constant 0 : i32
      %dma_wait3A_68 = arith.constant 0 : i32
      %dma_wait3A_69 = tpu.memref_slice %arg6[%dma_wait3A_67, %dma_wait3A_68] : memref<512x16xf32, #tpu.memory_space<vmem>> -> memref<1x16xf32, #tpu.memory_space<vmem>>
      %dma_wait3A_70 = tpu.memref_squeeze %dma_wait3A_69 : memref<1x16xf32, #tpu.memory_space<vmem>> -> memref<16xf32, #tpu.memory_space<vmem>>
      %dma_wait3A_71 = arith.constant 0 : i32
      %dma_wait3A_72 = tpu.memref_slice %arg2[%dma_wait3A_66, %dma_wait3A_71] : memref<1000000x16xf32, #tpu.memory_space<hbm>> -> memref<1x16xf32, #tpu.memory_space<hbm>>
      %dma_wait3A_73 = tpu.memref_squeeze %dma_wait3A_72 : memref<1x16xf32, #tpu.memory_space<hbm>> -> memref<16xf32, #tpu.memory_space<hbm>>
      %dma_wait3A_74 = arith.constant 0 : i32
      %dma_wait3A_75 = tpu.memref_slice %arg6[%dma_wait3A_67, %dma_wait3A_74] : memref<512x16xf32, #tpu.memory_space<vmem>> -> memref<1x16xf32, #tpu.memory_space<vmem>>
      %dma_wait3A_76 = tpu.memref_squeeze %dma_wait3A_75 : memref<1x16xf32, #tpu.memory_space<vmem>> -> memref<16xf32, #tpu.memory_space<vmem>>
      %dma_wait3A_77 = arith.constant 0 : i32
      %dma_wait3A_78 = tpu.memref_slice %arg2[%dma_wait3A_66, %dma_wait3A_77] : memref<1000000x16xf32, #tpu.memory_space<hbm>> -> memref<1x16xf32, #tpu.memory_space<hbm>>
      %dma_wait3A_79 = tpu.memref_squeeze %dma_wait3A_78 : memref<1x16xf32, #tpu.memory_space<hbm>> -> memref<16xf32, #tpu.memory_space<hbm>>
      tpu.wait_dma2 semaphore(%arg10 : memref<!tpu.dma_semaphore, #tpu.memory_space<semaphore_mem>>) src(%dma_wait3A_79 : memref<16xf32, #tpu.memory_space<hbm>>) dst(%dma_wait3A_76 : memref<16xf32, #tpu.memory_space<vmem>>)
      %dma_wait3A_80 = arith.constant 0 : i32
      %dma_wait3A_81 = arith.constant 0 : i32
      %dma_wait3A_82 = arith.constant 0 : i32
      %dma_wait3A_83 = tpu.memref_slice %arg6[%dma_wait3A_81, %dma_wait3A_82] : memref<512x16xf32, #tpu.memory_space<vmem>> -> memref<1x16xf32, #tpu.memory_space<vmem>>
      %dma_wait3A_84 = tpu.memref_squeeze %dma_wait3A_83 : memref<1x16xf32, #tpu.memory_space<vmem>> -> memref<16xf32, #tpu.memory_space<vmem>>
      %dma_wait3A_85 = arith.constant 0 : i32
      %dma_wait3A_86 = tpu.memref_slice %arg2[%dma_wait3A_80, %dma_wait3A_85] : memref<1000000x16xf32, #tpu.memory_space<hbm>> -> memref<1x16xf32, #tpu.memory_space<hbm>>
      %dma_wait3A_87 = tpu.memref_squeeze %dma_wait3A_86 : memref<1x16xf32, #tpu.memory_space<hbm>> -> memref<16xf32, #tpu.memory_space<hbm>>
      %dma_wait3A_88 = arith.constant 0 : i32
      %dma_wait3A_89 = tpu.memref_slice %arg6[%dma_wait3A_81, %dma_wait3A_88] : memref<512x16xf32, #tpu.memory_space<vmem>> -> memref<1x16xf32, #tpu.memory_space<vmem>>
      %dma_wait3A_90 = tpu.memref_squeeze %dma_wait3A_89 : memref<1x16xf32, #tpu.memory_space<vmem>> -> memref<16xf32, #tpu.memory_space<vmem>>
      %dma_wait3A_91 = arith.constant 0 : i32
      %dma_wait3A_92 = tpu.memref_slice %arg2[%dma_wait3A_80, %dma_wait3A_91] : memref<1000000x16xf32, #tpu.memory_space<hbm>> -> memref<1x16xf32, #tpu.memory_space<hbm>>
      %dma_wait3A_93 = tpu.memref_squeeze %dma_wait3A_92 : memref<1x16xf32, #tpu.memory_space<hbm>> -> memref<16xf32, #tpu.memory_space<hbm>>
      tpu.wait_dma2 semaphore(%arg11 : memref<!tpu.dma_semaphore, #tpu.memory_space<semaphore_mem>>) src(%dma_wait3A_93 : memref<16xf32, #tpu.memory_space<hbm>>) dst(%dma_wait3A_90 : memref<16xf32, #tpu.memory_space<vmem>>)
      %dma_wait3A_94 = arith.constant 0 : i32
      %dma_wait3A_95 = arith.constant 0 : i32
      %dma_wait3A_96 = arith.constant 0 : i32
      %dma_wait3A_97 = tpu.memref_slice %arg6[%dma_wait3A_95, %dma_wait3A_96] : memref<512x16xf32, #tpu.memory_space<vmem>> -> memref<1x16xf32, #tpu.memory_space<vmem>>
      %dma_wait3A_98 = tpu.memref_squeeze %dma_wait3A_97 : memref<1x16xf32, #tpu.memory_space<vmem>> -> memref<16xf32, #tpu.memory_space<vmem>>
      %dma_wait3A_99 = arith.constant 0 : i32
      %dma_wait3A_100 = tpu.memref_slice %arg2[%dma_wait3A_94, %dma_wait3A_99] : memref<1000000x16xf32, #tpu.memory_space<hbm>> -> memref<1x16xf32, #tpu.memory_space<hbm>>
      %dma_wait3A_101 = tpu.memref_squeeze %dma_wait3A_100 : memref<1x16xf32, #tpu.memory_space<hbm>> -> memref<16xf32, #tpu.memory_space<hbm>>
      %dma_wait3A_102 = arith.constant 0 : i32
      %dma_wait3A_103 = tpu.memref_slice %arg6[%dma_wait3A_95, %dma_wait3A_102] : memref<512x16xf32, #tpu.memory_space<vmem>> -> memref<1x16xf32, #tpu.memory_space<vmem>>
      %dma_wait3A_104 = tpu.memref_squeeze %dma_wait3A_103 : memref<1x16xf32, #tpu.memory_space<vmem>> -> memref<16xf32, #tpu.memory_space<vmem>>
      %dma_wait3A_105 = arith.constant 0 : i32
      %dma_wait3A_106 = tpu.memref_slice %arg2[%dma_wait3A_94, %dma_wait3A_105] : memref<1000000x16xf32, #tpu.memory_space<hbm>> -> memref<1x16xf32, #tpu.memory_space<hbm>>
      %dma_wait3A_107 = tpu.memref_squeeze %dma_wait3A_106 : memref<1x16xf32, #tpu.memory_space<hbm>> -> memref<16xf32, #tpu.memory_space<hbm>>
      tpu.wait_dma2 semaphore(%arg12 : memref<!tpu.dma_semaphore, #tpu.memory_space<semaphore_mem>>) src(%dma_wait3A_107 : memref<16xf32, #tpu.memory_space<hbm>>) dst(%dma_wait3A_104 : memref<16xf32, #tpu.memory_space<vmem>>)
      %dma_wait3A_108 = arith.constant 0 : i32
      %dma_wait3A_109 = arith.constant 0 : i32
      %dma_wait3A_110 = arith.constant 0 : i32
      %dma_wait3A_111 = tpu.memref_slice %arg6[%dma_wait3A_109, %dma_wait3A_110] : memref<512x16xf32, #tpu.memory_space<vmem>> -> memref<1x16xf32, #tpu.memory_space<vmem>>
      %dma_wait3A_112 = tpu.memref_squeeze %dma_wait3A_111 : memref<1x16xf32, #tpu.memory_space<vmem>> -> memref<16xf32, #tpu.memory_space<vmem>>
      %dma_wait3A_113 = arith.constant 0 : i32
      %dma_wait3A_114 = tpu.memref_slice %arg2[%dma_wait3A_108, %dma_wait3A_113] : memref<1000000x16xf32, #tpu.memory_space<hbm>> -> memref<1x16xf32, #tpu.memory_space<hbm>>
      %dma_wait3A_115 = tpu.memref_squeeze %dma_wait3A_114 : memref<1x16xf32, #tpu.memory_space<hbm>> -> memref<16xf32, #tpu.memory_space<hbm>>
      %dma_wait3A_116 = arith.constant 0 : i32
      %dma_wait3A_117 = tpu.memref_slice %arg6[%dma_wait3A_109, %dma_wait3A_116] : memref<512x16xf32, #tpu.memory_space<vmem>> -> memref<1x16xf32, #tpu.memory_space<vmem>>
      %dma_wait3A_118 = tpu.memref_squeeze %dma_wait3A_117 : memref<1x16xf32, #tpu.memory_space<vmem>> -> memref<16xf32, #tpu.memory_space<vmem>>
      %dma_wait3A_119 = arith.constant 0 : i32
      %dma_wait3A_120 = tpu.memref_slice %arg2[%dma_wait3A_108, %dma_wait3A_119] : memref<1000000x16xf32, #tpu.memory_space<hbm>> -> memref<1x16xf32, #tpu.memory_space<hbm>>
      %dma_wait3A_121 = tpu.memref_squeeze %dma_wait3A_120 : memref<1x16xf32, #tpu.memory_space<hbm>> -> memref<16xf32, #tpu.memory_space<hbm>>
      tpu.wait_dma2 semaphore(%arg13 : memref<!tpu.dma_semaphore, #tpu.memory_space<semaphore_mem>>) src(%dma_wait3A_121 : memref<16xf32, #tpu.memory_space<hbm>>) dst(%dma_wait3A_118 : memref<16xf32, #tpu.memory_space<vmem>>)
      %dma_wait3A_122 = arith.constant 0 : i32
      %dma_wait3A_123 = arith.constant 0 : i32
      %dma_wait3A_124 = arith.constant 0 : i32
      %dma_wait3A_125 = tpu.memref_slice %arg6[%dma_wait3A_123, %dma_wait3A_124] : memref<512x16xf32, #tpu.memory_space<vmem>> -> memref<1x16xf32, #tpu.memory_space<vmem>>
      %dma_wait3A_126 = tpu.memref_squeeze %dma_wait3A_125 : memref<1x16xf32, #tpu.memory_space<vmem>> -> memref<16xf32, #tpu.memory_space<vmem>>
      %dma_wait3A_127 = arith.constant 0 : i32
      %dma_wait3A_128 = tpu.memref_slice %arg2[%dma_wait3A_122, %dma_wait3A_127] : memref<1000000x16xf32, #tpu.memory_space<hbm>> -> memref<1x16xf32, #tpu.memory_space<hbm>>
      %dma_wait3A_129 = tpu.memref_squeeze %dma_wait3A_128 : memref<1x16xf32, #tpu.memory_space<hbm>> -> memref<16xf32, #tpu.memory_space<hbm>>
      %dma_wait3A_130 = arith.constant 0 : i32
      %dma_wait3A_131 = tpu.memref_slice %arg6[%dma_wait3A_123, %dma_wait3A_130] : memref<512x16xf32, #tpu.memory_space<vmem>> -> memref<1x16xf32, #tpu.memory_space<vmem>>
      %dma_wait3A_132 = tpu.memref_squeeze %dma_wait3A_131 : memref<1x16xf32, #tpu.memory_space<vmem>> -> memref<16xf32, #tpu.memory_space<vmem>>
      %dma_wait3A_133 = arith.constant 0 : i32
      %dma_wait3A_134 = tpu.memref_slice %arg2[%dma_wait3A_122, %dma_wait3A_133] : memref<1000000x16xf32, #tpu.memory_space<hbm>> -> memref<1x16xf32, #tpu.memory_space<hbm>>
      %dma_wait3A_135 = tpu.memref_squeeze %dma_wait3A_134 : memref<1x16xf32, #tpu.memory_space<hbm>> -> memref<16xf32, #tpu.memory_space<hbm>>
      tpu.wait_dma2 semaphore(%arg14 : memref<!tpu.dma_semaphore, #tpu.memory_space<semaphore_mem>>) src(%dma_wait3A_135 : memref<16xf32, #tpu.memory_space<hbm>>) dst(%dma_wait3A_132 : memref<16xf32, #tpu.memory_space<vmem>>)
      %scan3A_136 = arith.constant 0 : i32
      scf.yield %scan3A_136 : i32
    }
    %scan3A_15 = arith.constant 64 : i32
    %scan3A_16 = arith.constant 0 : i32
    %scan3A_17 = arith.constant 0 : i32
    %scan3A_18 = arith.constant 64 : i32
    %scan3A_19 = arith.addi %scan3A_17, %scan3A_18 : i32
    %scan3A_20 = arith.constant 1 : i32
    %scan3A_21 = scf.for %scan3A_23 = %scan3A_17 to %scan3A_19 step %scan3A_20 iter_args(%scan3A_24 = %scan3A_16) -> (i32)  : i32 {
      %mul3A_25 = arith.constant 8 : i32
      %mul3A_26 = arith.muli %scan3A_23, %mul3A_25 : i32
      %multiple_of3A = tpu.assume_multiple %mul3A_26, 8 : i32
      %add3A_27 = arith.constant 0 : i32
      %add3A_28 = arith.addi %multiple_of3A, %add3A_27 : i32
      %get3A = arith.index_cast %add3A_28 : i32 to index
      %get3A_29 = arith.constant 0 : index
      %get3A_30 = tpu.vector_load %arg6[%get3A, %get3A_29] {strides = array<i32>} : memref<512x16xf32, #tpu.memory_space<vmem>>, vector<1x16xf32>,
      %get3A_31 = vector.shape_cast %get3A_30 : vector<1x16xf32> to vector<16xf32>
      %max3A = arith.constant -1.000000e+00 : f32
      %max3A_32 = vector.broadcast %max3A : f32 to vector<16xf32>
      %max3A_33 = arith.maximumf %get3A_31, %max3A_32 : vector<16xf32>
      %min3A = arith.constant 1.000000e+00 : f32
      %min3A_34 = vector.broadcast %min3A : f32 to vector<16xf32>
      %min3A_35 = arith.minimumf %max3A_33, %min3A_34 : vector<16xf32>
      %add3A_36 = arith.constant 0 : i32
      %add3A_37 = arith.addi %multiple_of3A, %add3A_36 : i32
      %swap3A = arith.index_cast %add3A_37 : i32 to index
      %swap3A_38 = arith.constant 0 : index
      %swap3A_39 = tpu.vector_load %arg6[%swap3A, %swap3A_38] {strides = array<i32>} : memref<512x16xf32, #tpu.memory_space<vmem>>, vector<1x16xf32>,
      %swap3A_40 = vector.shape_cast %swap3A_39 : vector<1x16xf32> to vector<16xf32>
      %swap3A_41 = vector.shape_cast %min3A_35 : vector<16xf32> to vector<1x16xf32>
      tpu.vector_store %arg6[%swap3A, %swap3A_38], %swap3A_41 {strides = array<i32>} : memref<512x16xf32, #tpu.memory_space<vmem>>, vector<1x16xf32>,
      %add3A_42 = arith.constant 1 : i32
      %add3A_43 = arith.addi %multiple_of3A, %add3A_42 : i32
      %get3A_44 = arith.index_cast %add3A_43 : i32 to index
      %get3A_45 = arith.constant 0 : index
      %get3A_46 = tpu.vector_load %arg6[%get3A_44, %get3A_45] {strides = array<i32>} : memref<512x16xf32, #tpu.memory_space<vmem>>, vector<1x16xf32>,
      %get3A_47 = vector.shape_cast %get3A_46 : vector<1x16xf32> to vector<16xf32>
      %max3A_48 = arith.constant -1.000000e+00 : f32
      %max3A_49 = vector.broadcast %max3A_48 : f32 to vector<16xf32>
      %max3A_50 = arith.maximumf %get3A_47, %max3A_49 : vector<16xf32>
      %min3A_51 = arith.constant 1.000000e+00 : f32
      %min3A_52 = vector.broadcast %min3A_51 : f32 to vector<16xf32>
      %min3A_53 = arith.minimumf %max3A_50, %min3A_52 : vector<16xf32>
      %add3A_54 = arith.constant 1 : i32
      %add3A_55 = arith.addi %multiple_of3A, %add3A_54 : i32
      %swap3A_56 = arith.index_cast %add3A_55 : i32 to index
      %swap3A_57 = arith.constant 0 : index
      %swap3A_58 = tpu.vector_load %arg6[%swap3A_56, %swap3A_57] {strides = array<i32>} : memref<512x16xf32, #tpu.memory_space<vmem>>, vector<1x16xf32>,
      %swap3A_59 = vector.shape_cast %swap3A_58 : vector<1x16xf32> to vector<16xf32>
      %swap3A_60 = vector.shape_cast %min3A_53 : vector<16xf32> to vector<1x16xf32>
      tpu.vector_store %arg6[%swap3A_56, %swap3A_57], %swap3A_60 {strides = array<i32>} : memref<512x16xf32, #tpu.memory_space<vmem>>, vector<1x16xf32>,
      %add3A_61 = arith.constant 2 : i32
      %add3A_62 = arith.addi %multiple_of3A, %add3A_61 : i32
      %get3A_63 = arith.index_cast %add3A_62 : i32 to index
      %get3A_64 = arith.constant 0 : index
      %get3A_65 = tpu.vector_load %arg6[%get3A_63, %get3A_64] {strides = array<i32>} : memref<512x16xf32, #tpu.memory_space<vmem>>, vector<1x16xf32>,
      %get3A_66 = vector.shape_cast %get3A_65 : vector<1x16xf32> to vector<16xf32>
      %max3A_67 = arith.constant -1.000000e+00 : f32
      %max3A_68 = vector.broadcast %max3A_67 : f32 to vector<16xf32>
      %max3A_69 = arith.maximumf %get3A_66, %max3A_68 : vector<16xf32>
      %min3A_70 = arith.constant 1.000000e+00 : f32
      %min3A_71 = vector.broadcast %min3A_70 : f32 to vector<16xf32>
      %min3A_72 = arith.minimumf %max3A_69, %min3A_71 : vector<16xf32>
      %add3A_73 = arith.constant 2 : i32
      %add3A_74 = arith.addi %multiple_of3A, %add3A_73 : i32
      %swap3A_75 = arith.index_cast %add3A_74 : i32 to index
      %swap3A_76 = arith.constant 0 : index
      %swap3A_77 = tpu.vector_load %arg6[%swap3A_75, %swap3A_76] {strides = array<i32>} : memref<512x16xf32, #tpu.memory_space<vmem>>, vector<1x16xf32>,
      %swap3A_78 = vector.shape_cast %swap3A_77 : vector<1x16xf32> to vector<16xf32>
      %swap3A_79 = vector.shape_cast %min3A_72 : vector<16xf32> to vector<1x16xf32>
      tpu.vector_store %arg6[%swap3A_75, %swap3A_76], %swap3A_79 {strides = array<i32>} : memref<512x16xf32, #tpu.memory_space<vmem>>, vector<1x16xf32>,
      %add3A_80 = arith.constant 3 : i32
      %add3A_81 = arith.addi %multiple_of3A, %add3A_80 : i32
      %get3A_82 = arith.index_cast %add3A_81 : i32 to index
      %get3A_83 = arith.constant 0 : index
      %get3A_84 = tpu.vector_load %arg6[%get3A_82, %get3A_83] {strides = array<i32>} : memref<512x16xf32, #tpu.memory_space<vmem>>, vector<1x16xf32>,
      %get3A_85 = vector.shape_cast %get3A_84 : vector<1x16xf32> to vector<16xf32>
      %max3A_86 = arith.constant -1.000000e+00 : f32
      %max3A_87 = vector.broadcast %max3A_86 : f32 to vector<16xf32>
      %max3A_88 = arith.maximumf %get3A_85, %max3A_87 : vector<16xf32>
      %min3A_89 = arith.constant 1.000000e+00 : f32
      %min3A_90 = vector.broadcast %min3A_89 : f32 to vector<16xf32>
      %min3A_91 = arith.minimumf %max3A_88, %min3A_90 : vector<16xf32>
      %add3A_92 = arith.constant 3 : i32
      %add3A_93 = arith.addi %multiple_of3A, %add3A_92 : i32
      %swap3A_94 = arith.index_cast %add3A_93 : i32 to index
      %swap3A_95 = arith.constant 0 : index
      %swap3A_96 = tpu.vector_load %arg6[%swap3A_94, %swap3A_95] {strides = array<i32>} : memref<512x16xf32, #tpu.memory_space<vmem>>, vector<1x16xf32>,
      %swap3A_97 = vector.shape_cast %swap3A_96 : vector<1x16xf32> to vector<16xf32>
      %swap3A_98 = vector.shape_cast %min3A_91 : vector<16xf32> to vector<1x16xf32>
      tpu.vector_store %arg6[%swap3A_94, %swap3A_95], %swap3A_98 {strides = array<i32>} : memref<512x16xf32, #tpu.memory_space<vmem>>, vector<1x16xf32>,
      %add3A_99 = arith.constant 4 : i32
      %add3A_100 = arith.addi %multiple_of3A, %add3A_99 : i32
      %get3A_101 = arith.index_cast %add3A_100 : i32 to index
      %get3A_102 = arith.constant 0 : index
      %get3A_103 = tpu.vector_load %arg6[%get3A_101, %get3A_102] {strides = array<i32>} : memref<512x16xf32, #tpu.memory_space<vmem>>, vector<1x16xf32>,
      %get3A_104 = vector.shape_cast %get3A_103 : vector<1x16xf32> to vector<16xf32>
      %max3A_105 = arith.constant -1.000000e+00 : f32
      %max3A_106 = vector.broadcast %max3A_105 : f32 to vector<16xf32>
      %max3A_107 = arith.maximumf %get3A_104, %max3A_106 : vector<16xf32>
      %min3A_108 = arith.constant 1.000000e+00 : f32
      %min3A_109 = vector.broadcast %min3A_108 : f32 to vector<16xf32>
      %min3A_110 = arith.minimumf %max3A_107, %min3A_109 : vector<16xf32>
      %add3A_111 = arith.constant 4 : i32
      %add3A_112 = arith.addi %multiple_of3A, %add3A_111 : i32
      %swap3A_113 = arith.index_cast %add3A_112 : i32 to index
      %swap3A_114 = arith.constant 0 : index
      %swap3A_115 = tpu.vector_load %arg6[%swap3A_113, %swap3A_114] {strides = array<i32>} : memref<512x16xf32, #tpu.memory_space<vmem>>, vector<1x16xf32>,
      %swap3A_116 = vector.shape_cast %swap3A_115 : vector<1x16xf32> to vector<16xf32>
      %swap3A_117 = vector.shape_cast %min3A_110 : vector<16xf32> to vector<1x16xf32>
      tpu.vector_store %arg6[%swap3A_113, %swap3A_114], %swap3A_117 {strides = array<i32>} : memref<512x16xf32, #tpu.memory_space<vmem>>, vector<1x16xf32>,
      %add3A_118 = arith.constant 5 : i32
      %add3A_119 = arith.addi %multiple_of3A, %add3A_118 : i32
      %get3A_120 = arith.index_cast %add3A_119 : i32 to index
      %get3A_121 = arith.constant 0 : index
      %get3A_122 = tpu.vector_load %arg6[%get3A_120, %get3A_121] {strides = array<i32>} : memref<512x16xf32, #tpu.memory_space<vmem>>, vector<1x16xf32>,
      %get3A_123 = vector.shape_cast %get3A_122 : vector<1x16xf32> to vector<16xf32>
      %max3A_124 = arith.constant -1.000000e+00 : f32
      %max3A_125 = vector.broadcast %max3A_124 : f32 to vector<16xf32>
      %max3A_126 = arith.maximumf %get3A_123, %max3A_125 : vector<16xf32>
      %min3A_127 = arith.constant 1.000000e+00 : f32
      %min3A_128 = vector.broadcast %min3A_127 : f32 to vector<16xf32>
      %min3A_129 = arith.minimumf %max3A_126, %min3A_128 : vector<16xf32>
      %add3A_130 = arith.constant 5 : i32
      %add3A_131 = arith.addi %multiple_of3A, %add3A_130 : i32
      %swap3A_132 = arith.index_cast %add3A_131 : i32 to index
      %swap3A_133 = arith.constant 0 : index
      %swap3A_134 = tpu.vector_load %arg6[%swap3A_132, %swap3A_133] {strides = array<i32>} : memref<512x16xf32, #tpu.memory_space<vmem>>, vector<1x16xf32>,
      %swap3A_135 = vector.shape_cast %swap3A_134 : vector<1x16xf32> to vector<16xf32>
      %swap3A_136 = vector.shape_cast %min3A_129 : vector<16xf32> to vector<1x16xf32>
      tpu.vector_store %arg6[%swap3A_132, %swap3A_133], %swap3A_136 {strides = array<i32>} : memref<512x16xf32, #tpu.memory_space<vmem>>, vector<1x16xf32>,
      %add3A_137 = arith.constant 6 : i32
      %add3A_138 = arith.addi %multiple_of3A, %add3A_137 : i32
      %get3A_139 = arith.index_cast %add3A_138 : i32 to index
      %get3A_140 = arith.constant 0 : index
      %get3A_141 = tpu.vector_load %arg6[%get3A_139, %get3A_140] {strides = array<i32>} : memref<512x16xf32, #tpu.memory_space<vmem>>, vector<1x16xf32>,
      %get3A_142 = vector.shape_cast %get3A_141 : vector<1x16xf32> to vector<16xf32>
      %max3A_143 = arith.constant -1.000000e+00 : f32
      %max3A_144 = vector.broadcast %max3A_143 : f32 to vector<16xf32>
      %max3A_145 = arith.maximumf %get3A_142, %max3A_144 : vector<16xf32>
      %min3A_146 = arith.constant 1.000000e+00 : f32
      %min3A_147 = vector.broadcast %min3A_146 : f32 to vector<16xf32>
      %min3A_148 = arith.minimumf %max3A_145, %min3A_147 : vector<16xf32>
      %add3A_149 = arith.constant 6 : i32
      %add3A_150 = arith.addi %multiple_of3A, %add3A_149 : i32
      %swap3A_151 = arith.index_cast %add3A_150 : i32 to index
      %swap3A_152 = arith.constant 0 : index
      %swap3A_153 = tpu.vector_load %arg6[%swap3A_151, %swap3A_152] {strides = array<i32>} : memref<512x16xf32, #tpu.memory_space<vmem>>, vector<1x16xf32>,
      %swap3A_154 = vector.shape_cast %swap3A_153 : vector<1x16xf32> to vector<16xf32>
      %swap3A_155 = vector.shape_cast %min3A_148 : vector<16xf32> to vector<1x16xf32>
      tpu.vector_store %arg6[%swap3A_151, %swap3A_152], %swap3A_155 {strides = array<i32>} : memref<512x16xf32, #tpu.memory_space<vmem>>, vector<1x16xf32>,
      %add3A_156 = arith.constant 7 : i32
      %add3A_157 = arith.addi %multiple_of3A, %add3A_156 : i32
      %get3A_158 = arith.index_cast %add3A_157 : i32 to index
      %get3A_159 = arith.constant 0 : index
      %get3A_160 = tpu.vector_load %arg6[%get3A_158, %get3A_159] {strides = array<i32>} : memref<512x16xf32, #tpu.memory_space<vmem>>, vector<1x16xf32>,
      %get3A_161 = vector.shape_cast %get3A_160 : vector<1x16xf32> to vector<16xf32>
      %max3A_162 = arith.constant -1.000000e+00 : f32
      %max3A_163 = vector.broadcast %max3A_162 : f32 to vector<16xf32>
      %max3A_164 = arith.maximumf %get3A_161, %max3A_163 : vector<16xf32>
      %min3A_165 = arith.constant 1.000000e+00 : f32
      %min3A_166 = vector.broadcast %min3A_165 : f32 to vector<16xf32>
      %min3A_167 = arith.minimumf %max3A_164, %min3A_166 : vector<16xf32>
      %add3A_168 = arith.constant 7 : i32
      %add3A_169 = arith.addi %multiple_of3A, %add3A_168 : i32
      %swap3A_170 = arith.index_cast %add3A_169 : i32 to index
      %swap3A_171 = arith.constant 0 : index
      %swap3A_172 = tpu.vector_load %arg6[%swap3A_170, %swap3A_171] {strides = array<i32>} : memref<512x16xf32, #tpu.memory_space<vmem>>, vector<1x16xf32>,
      %swap3A_173 = vector.shape_cast %swap3A_172 : vector<1x16xf32> to vector<16xf32>
      %swap3A_174 = vector.shape_cast %min3A_167 : vector<16xf32> to vector<1x16xf32>
      tpu.vector_store %arg6[%swap3A_170, %swap3A_171], %swap3A_174 {strides = array<i32>} : memref<512x16xf32, #tpu.memory_space<vmem>>, vector<1x16xf32>,
      %scan3A_175 = arith.constant 0 : i32
      scf.yield %scan3A_175 : i32
    }
    %scan3A_22 = arith.constant 64 : i32
    "tpu.region"() ({
      %run_scoped3A = tpu.sem_alloc : memref<!tpu.dma_semaphore, #tpu.memory_space<semaphore_mem>>
      %dma_start3A = arith.constant 0 : i32
      %dma_start3A_23 = tpu.memref_slice %arg4[%mul3A_2, %dma_start3A] : memref<16384x16xf32, #tpu.memory_space<hbm>> -> memref<512x16xf32, #tpu.memory_space<hbm>>
      %dma_start3A_24 = arith.constant 0 : i32
      %dma_start3A_25 = tpu.memref_slice %arg4[%mul3A_2, %dma_start3A_24] : memref<16384x16xf32, #tpu.memory_space<hbm>> -> memref<512x16xf32, #tpu.memory_space<hbm>>
      tpu.enqueue_dma source(%arg6 : memref<512x16xf32, #tpu.memory_space<vmem>>) target(%dma_start3A_25 : memref<512x16xf32, #tpu.memory_space<hbm>>) target_semaphore(%run_scoped3A : memref<!tpu.dma_semaphore, #tpu.memory_space<semaphore_mem>>)
      %dma_wait3A = arith.constant 0 : i32
      %dma_wait3A_26 = tpu.memref_slice %arg4[%mul3A_2, %dma_wait3A] : memref<16384x16xf32, #tpu.memory_space<hbm>> -> memref<512x16xf32, #tpu.memory_space<hbm>>
      %dma_wait3A_27 = arith.constant 0 : i32
      %dma_wait3A_28 = tpu.memref_slice %arg4[%mul3A_2, %dma_wait3A_27] : memref<16384x16xf32, #tpu.memory_space<hbm>> -> memref<512x16xf32, #tpu.memory_space<hbm>>
      tpu.wait_dma2 semaphore(%run_scoped3A : memref<!tpu.dma_semaphore, #tpu.memory_space<semaphore_mem>>) src(%arg6 : memref<512x16xf32, #tpu.memory_space<vmem>>) dst(%dma_wait3A_28 : memref<512x16xf32, #tpu.memory_space<hbm>>)
      tpu.yield
    }) : () -> ()
    return
  }
}

</mosaic_0001>

<sc_bundles>
// kernel: _gather_clip.3.cloned.1.call-start
scs
__scs_entry_jumppad:
0x0: {  	(pc) =	sbr.rel $0x88, $3  }
0x1: {  	(tag) =	ssettag $0x0;
	lr =	simm.s32 $0x1  }
0x2: {  	[smem:$0x3F9F] =	sst lr;
	_ =	strace $0xD0000000  }
0x3: {  	_ = 	snop  }
0x4: {  	_ = 	snop  }
0x5: {  	_ = 	snop  }
0x6: {  	_ = 	snop  }
0x7: {  	_ = 	snop  }
__scs_overlays_trampoline_lowered:
0x8: {  	[smem:$0x3FAE] =	sst s0  }
0x9: {  	[smem:$0x3FAF] =	sst s1  }
0xa: {  	[smem:$0x3FB0] =	sst s2  }
0xb: {  	[smem:$0x3FB1] =	sst s3  }
0xc: {  	[smem:$0x3FB2] =	sst s4  }
0xd: {  	[smem:$0x3FB3] =	sst s5  }
0xe: {  	[smem:$0x3FB4] =	sst s6  }
0xf: {  	[smem:$0x3FB5] =	sst s7  }
0x10: {  	[smem:$0x3FB6] =	sst s8  }
0x11: {  	[smem:$0x3FB7] =	sst s9;
	s0 =	simm.s32 @!p0 $0x0  }
0x12: {  	s1 =	sld [smem:$0x3F9D];
	s0 =	simm.s32 @p0 $0x1  }
0x13: {  	[smem:$0x3FB8] =	sst s0;
	s0 =	simm.s32 @!p1 $0x0  }
0x14: {  	s2 =	sld [smem:$0x3F9C];
	s0 =	simm.s32 @p1 $0x1  }
0x15: {  	[smem:$0x3FB9] =	sst s0;
	s0 =	simm.s32 @!p2 $0x0  }
0x16: {  	s3 =	sld [smem:$0x3FDB];
	s0 =	simm.s32 @p2 $0x1  }
0x17: {  	s4 =	simm.s32 $0x1BF5;
	[smem:$0x3FBB] =	sst s0  }
0x18: {  	s0 =	sld [smem:$0x3F9E];
	_ =	swait.ge [sflag:s4], $0x0  }
0x19: {  	s7 =	sld [smem:$0x3F9F]  }
0x1a: {  	s8 =	sadd.s32 $0xFFFFE003, lr  }
0x1b: {  	s9 =	sadd.s32 $0xFFFFFEF7, lr;
	s5 =	simm.s32 $0xFFFFFFFF;
	p2 =	slt.u32 s8, $0xFFFFF086  }
0x1c: {  	p1 =	slt.u32 s9, $0xF7A;
	s5 =	simm.s32 @!p2 $0x0  }
0x1d: {  	s5 =	simm.s32 @p1 $0x1;
	p0 =	seq.s32 s7, s2  }
0x1e: {  	s7 =	smul.u32 @!p0 $0xF7A, s2;
	p2 =	seq.s32 @!p0 s5, $0x0  }
0x1f: {  	s9 =	smul.u32 $0xF7A, s1;
	s8 =	simm.s32 @!p0 $0x1BF5;
	p2 =	por !p2, p0  }
0x20: {  	[sflag:s8] =	ssyncset.s32 @!p0 $0xFFFFF086;
	s6 =	sadd.s32 @!p0 s3, s7;
	s7 =	simm.s32 @!p0 $0x108  }
0x21: {  	s3 =	sadd.s32 s3, s9;
	s6 =	sadd.s32 @!p0 $0x88, s6;
	s7 =	simm.s32 @p2 $0x1082  }
0x22: {  	[simem:s7], [sflag:s8] =	dma.local @!p0 [hbm:s6], $0xF7A  }
0x23: {  	s9 =	sor.u32 $0xD0000000, s2;
	s6 =	simm.s32 $0x108;
	_ =	swait.ge @!p0 [sflag:s8], $0x0  }
0x24: {  	s3 =	sadd.s32 $0x88, s3;
	s6 =	simm.s32 @!p1 $0x1082;
	[sflag:s4] =	ssyncset.s32 $0xFFFFF086  }
0x25: {  	[simem:s6], [sflag:s4] =	dma.local [hbm:s3], $0xF7A  }
0x26: {  	[smem:$0x3F9F] =	sst s1;
	(tag) =	ssettag s2;
	_ =	strace s9  }
0x27: {  	s1 =	sld [smem:$0x3FAF]  }
0x28: {  	s2 =	sld [smem:$0x3FB0]  }
0x29: {  	s4 =	sld [smem:$0x3FB2]  }
0x2a: {  	p0 =	seq.s32 s5, $0x0;
	s5 =	sld [smem:$0x3FB3]  }
0x2b: {  	s6 =	sld [smem:$0x3FB4]  }
0x2c: {  	s7 =	sld [smem:$0x3FB5]  }
0x2d: {  	s3 =	simm.s32 $0x108;
	s8 =	sld [smem:$0x3FB6]  }
0x2e: {  	s3 =	simm.s32 @!p0 $0x1082;
	s9 =	sld [smem:$0x3FB7]  }
0x2f: {  	lr =	sadd.s32 s0, s3;
	s0 =	sld [smem:$0x3FAE]  }
0x30: {  	s3 =	sld [smem:$0x3FB1]  }
0x31: {  	[smem:$0x3FBA] =	sst s10  }
0x32: {  	s10 =	sld [smem:$0x3FB8];
	_ =	sdelay $0x3  }
0x33: {  	p0 =	seq.s32 s10, $0x1;
	s10 =	sld [smem:$0x3FBA];
	_ =	sdelay $0x3  }
0x34: {  	[smem:$0x3FBA] =	sst s10  }
0x35: {  	s10 =	sld [smem:$0x3FB9];
	_ =	sdelay $0x3  }
0x36: {  	p1 =	seq.s32 s10, $0x1;
	s10 =	sld [smem:$0x3FBA];
	_ =	sdelay $0x3  }
0x37: {  	[smem:$0x3FBA] =	sst s10  }
0x38: {  	s10 =	sld [smem:$0x3FBB]  }
0x39: {  	_ = 	snop;
	(pc) =	sbr.ind lr, $3  }
0x3a: {  	_ = 	snop  }
0x3b: {  	_ = 	snop  }
0x3c: {  	p2 =	seq.s32 s10, $0x1;
	s10 =	sld [smem:$0x3FBA]  }
0x3d: {  	_ =	shalt  }
0x3e: {  	_ =	shalt  }
0x3f: {  	_ =	shalt  }
0x40: {  	_ =	shalt  }
0x41: {  	_ =	shalt  }
0x42: {  	_ =	shalt  }
0x43: {  	_ =	shalt  }
0x44: {  	_ =	shalt  }
0x45: {  	_ =	shalt  }
0x46: {  	_ =	shalt  }
0x47: {  	_ =	shalt  }
0x48: {  	_ =	shalt  }
0x49: {  	_ =	shalt  }
0x4a: {  	_ =	shalt  }
0x4b: {  	_ =	shalt  }
0x4c: {  	_ =	shalt  }
0x4d: {  	_ =	shalt  }
0x4e: {  	_ =	shalt  }
0x4f: {  	_ =	shalt  }
0x50: {  	_ =	shalt  }
0x51: {  	_ =	shalt  }
0x52: {  	_ =	shalt  }
0x53: {  	_ =	shalt  }
0x54: {  	_ =	shalt  }
0x55: {  	_ =	shalt  }
0x56: {  	_ =	shalt  }
0x57: {  	_ =	shalt  }
0x58: {  	_ =	shalt  }
0x59: {  	_ =	shalt  }
0x5a: {  	_ =	shalt  }
0x5b: {  	_ =	shalt  }
0x5c: {  	_ =	shalt  }
0x5d: {  	_ =	shalt  }
0x5e: {  	_ =	shalt  }
0x5f: {  	_ =	shalt  }
0x60: {  	_ =	shalt  }
0x61: {  	_ =	shalt  }
0x62: {  	_ =	shalt  }
0x63: {  	_ =	shalt  }
0x64: {  	_ =	shalt  }
0x65: {  	_ =	shalt  }
0x66: {  	_ =	shalt  }
0x67: {  	_ =	shalt  }
0x68: {  	_ =	shalt  }
0x69: {  	_ =	shalt  }
0x6a: {  	_ =	shalt  }
0x6b: {  	_ =	shalt  }
0x6c: {  	_ =	shalt  }
0x6d: {  	_ =	shalt  }
0x6e: {  	_ =	shalt  }
0x6f: {  	_ =	shalt  }
0x70: {  	_ =	shalt  }
0x71: {  	_ =	shalt  }
0x72: {  	_ =	shalt  }
0x73: {  	_ =	shalt  }
0x74: {  	_ =	shalt  }
0x75: {  	_ =	shalt  }
0x76: {  	_ =	shalt  }
0x77: {  	_ =	shalt  }
0x78: {  	_ =	shalt  }
0x79: {  	_ =	shalt  }
0x7a: {  	_ =	shalt  }
0x7b: {  	_ =	shalt  }
0x7c: {  	_ =	shalt  }
0x7d: {  	_ =	shalt  }
0x7e: {  	_ =	shalt  }
0x7f: {  	_ =	shalt  }
0x80: {  	_ =	shalt  }
0x81: {  	_ =	shalt  }
0x82: {  	_ =	shalt  }
0x83: {  	_ =	shalt  }
0x84: {  	_ =	shalt  }
0x85: {  	_ =	shalt  }
0x86: {  	_ =	shalt  }
0x87: {  	_ =	shalt  }
.Lfunc_end0:
.L_simem_size_0:
called_computation_lowered:
.L_overlay_start_0:
0x88: {  	s2 =	sld [smem:$0x3FD9]  }
0x89: {  	s3 =	sld [smem:$0x3FFE];
	_ =	sdelay $0x1  }
0x8a: {  	s1 =	srdreg.scid  }
0x8b: {  	s0 =	sand.u32 $0x1, s1  }
0x8c: {  	s17 =	sshll.u32 s0, $0xA;
	s2 =	sadd.s32 s3, s2  }
0x8d: {  	s2 =	sadd.s32 s2, s17  }
0x8e: {  	[smem:$0x3FC6] =	sst s2  }
0x8f: {  	_ = 	snop  }
0x90: {  	s2 =	sld [smem:$0x3FC8];
	(tm) =	ssettm $0x1  }
0x91: {  	s18 =	sld [smem:$0x3FFB];
	_ =	sdelay $0x3  }
0x92: {  	_ =	strace s18  }
0x93: {  	s3 =	sld [smem:$0x3FFC];
	_ =	sdelay $0x3  }
0x94: {  	_ =	strace s3  }
0x95: {  	s3 =	sld [smem:$0x3FFD];
	_ =	sdelay $0x3  }
0x96: {  	_ =	strace s3  }
0x97: {  	_ =	strace $0x8FFFFFFF  }
0x98: {  	s19 =	sld [smem:$0x3FDB];
	_ =	sdelay $0x1  }
0x99: {  	s4 =	simm.s32 $_scs_section_size  }
0x9a: {  	s5 =	simm.s32 $_size__tile_overlayer_lowered;
	s6 =	simm.s32 $_tile_overlayer_lowered  }
0x9b: {  	s22 =	simm.s32 $0x1BFF;
	s21 =	sshll.u32 s6, $0x1;
	s3 =	sadd.s32 s4, s19  }
0x9c: {  	s7 =	simm.s32 $0x0;
	s20 =	sshll.u32 s5, $0x1;
	s5 =	sadd.s32 s21, s3  }
0x9d: {  	[timem:s7], [sflag:s22] =	dma.local [hbm:s5], s20  }
0x9e: {  	_ =	swait.ge [sflag:s22], s20  }
0x9f: {  	s4 =	ssub.s32 $0x0, s20;
	[sflag:s22] =	ssyncset.done $0x0  }
0xa0: {  	[sflag:s22] =	ssyncadd.s32 s4;
	_ =	sdelay $0x1  }
0xa1: {  	s23 =	simm.s32 $0x1B8B  }
0xa2: {  	_ =	swait.ge [sflag:s23], $0x1  }
0xa3: {  	[sflag:s23] =	ssyncset.done $0x0  }
0xa4: {  	s25 =	simm.s32 $0x1B8E;
	s24 =	sld [smem:$0x3FFE];
	[sflag:s23] =	ssyncadd.s32 $0xFFFFFFFF  }
0xa5: {  	s26 =	simm.s32 $execute0_lowered;
	[smem:$0x3FD2] =	sst s25  }
0xa6: {  	s5 =	sshll.u32 s26, $0x1;
	_ =	strace $0x80000046;
	[dreg:$0x1] =	wrdreg $0xFFFFFFFF  }
0xa7: {  	s28 =	simm.s32 $_size_execute0_lowered;
	s3 =	sadd.s32 s3, s5;
	[dreg:$0x0] =	wrdreg $0x0  }
0xa8: {  	s5 =	sshll.u32 s28, $0x1;
	[dreg:$0x2] =	wrdreg s3  }
0xa9: {  	[dreg:$0x3] =	wrdreg s5  }
0xaa: {  	[dreg:$0x4] =	wrdreg $0xC0  }
0xab: {  	_ =	task [dreg:s7], $0x5FFFF  }
0xac: {  	[dreg:$0x1] =	wrdreg $0xFFFFFFFF  }
0xad: {  	[dreg:$0x0] =	wrdreg $0x60  }
0xae: {  	[dreg:$0x2] =	wrdreg s24  }
0xaf: {  	[dreg:$0x3] =	wrdreg s2  }
0xb0: {  	[dreg:$0x4] =	wrdreg $0x9  }
0xb1: {  	_ =	task.clear_ibuf [dreg:s7], $0x5FFFF;
	_ =	strace $0x90000046  }
0xb2: {  	s29 =	simm.s32 $0x9;
	_ =	strace $0x80000048  }
0xb3: {  	_ =	swait.ge [sflag:s29], $0x1  }
0xb4: {  	[sflag:s29] =	ssyncadd.s32 $0xFFFFFFFF  }
0xb5: {  	_ =	strace $0x90000048  }
0xb6: {  	_ =	sfence  }
0xb7: {  	s30 =	sld [smem:$0x0];
	_ =	sdelay $0x2  }
0xb8: {  	s31 =	sshll.u32 s1, $0xD;
	s1 =	sshrl.u32 s1, $0x2  }
0xb9: {  	s3 =	sand.u32 $0x4000, s31;
	s1 =	sadd.s32 s1, s30  }
0xba: {  	s0 =	sor.u32 s3, s0;
	s1 =	sshll.u32 s1, $0x11  }
0xbb: {  	s0 =	sor.u32 s1, s0  }
0xbc: {  	s0 =	sadd.s32 $0x8F2B, s0  }
0xbd: {  	[sflag:s0] =	ssyncadd.remote.s32 $0x1  }
0xbe: {  	_ =	sfence.sel $0xFFFF  }
0xbf: {  	[dreg:$0x0] =	wrdreg $0xFFFFFFFF;
	(pc) =	sbr.abs _section_cstart, $3  }
0xc0: {  	[dreg:$0x1] =	wrdreg $0xFFFFFFFF  }
0xc1: {  	_ =	task.clear_ibuf [dreg:s7], $0x2FFFF;
	_ =	strace $0x9FFFFFFF  }
0xc2: {  	(tm) =	ssettm $0x7FFFFFFF  }
0xc3: {  	_ =	shalt  }
tec
execute0_lowered:
.L_overlay_start_1:
0x0: {  	(tag) =	ssettag $0x1  }
0x1: {  	s4 =	rddreg [dreg:$0x0]  }
0x2: {  	s5 =	rddreg [dreg:$0x1];
	s3 =	srdreg.scid;
	s2 =	simm.s32 $0x0  }
0x3: {  	s0 =	stileid.u32;
	s1 =	simm.s32 $0x9;
	s9 =	simm.s32 $0x2  }
0x4: {  	s10 =	simm.s32 $0x3;
	s11 =	simm.s32 $0x4;
	s12 =	simm.s32 $0x5  }
0x5: {  	s13 =	simm.s32 $0x6;
	s14 =	simm.s32 $0x7;
	s6 =	sand.u32 $0x1, s3  }
0x6: {  	s15 =	simm.s32 $0x8;
	s26 =	sshll.u32 s0, $0xA;
	s7 =	sshll.u32 s6, $0x9  }
0x7: {  	[smem:$0x7FF] =	sst s2;
	s6 =	ssub.s32 $0x2, s6;
	s7 =	sor.u32 s7, s26  }
0x8: {  	s28 =	sshrl.u32 s6, $0x1;
	s8 =	sshll.u32 s7, $0x4;
	s7 =	sshrl.u32 s7, $0x3  }
0x9: {  	_ =	strace $0x80000047;
	s6 =	ssub.s32 s6, s28;
	s29 =	sadd.s32 s5, s7  }
0xa: {  	s8 =	sadd.s32 s8, s4;
	s31 =	smax.u32 s6, $0x1;
	[dreg:$0x3] =	wrdreg s29  }
0xb: {  	s17 =	simm.s32 $0x0;
	s30 =	sadd.s32 $0xF42800, s8;
	[dreg:$0x5] =	wrdreg s31  }
0xc: {  	s3 =	sadd.s32 $0x400, s4;
	s8 =	simm.s32 $0x1;
	[dreg:$0x4] =	wrdreg s30  }
.LBB2_1:
0xd: {  	s0 =	rddreg [dreg:$0x3]  }
0xe: {  	[tilespmem:s2], [sflag:$0x9] =	stream.linear.gather [hbm4b:s0+s2], $0x200, $0x38;
	[tilespmem:$0x10200] =	vst v63  }
0xf: {  	_ =	swait.ge [sflag:s1], $0x200  }
0x10: {  	[sflag:s1] =	ssyncset.done $0x0  }
0x11: {  	[sflag:s1] =	ssyncadd.s32 $0xFFFFFE00  }
0x12: {  	v0 =	vld [tilespmem:s2+$0x0];
	_ =	sdelay $0x4  }
0x13: {  	v0 =	vshll.u32 v0, $0x4  }
0x14: {  	(v2sf) =	vpush v0, $0x0  }
0x15: {  	(v2sf) =	vpush v0, $0x1  }
0x16: {  	(v2sf) =	vpush v0, $0x2;
	_ =	sdelay $0x1  }
0x17: {  	(v2sf) =	vpush v0, $0x4;
	_ =	sdelay $0x1  }
0x18: {  	(v2sf) =	vpush v0, $0x3  }
0x19: {  	(v2sf) =	vpush v0, $0x5  }
0x1a: {  	s19 =	simm.s32 $0x2000;
	s18 =	simm.s32 $0x0;
	s20 =	simm.s32 $0x0;
	(v2sf) =	vpush v0, $0x6  }
.LBB2_2:
0x1b: {  	p0 =	sne.s32 s19, $0x3E000  }
0x1c: {  	s31 =	sadd.s32 $0x280, s18;
	s24 =	sadd.s32 $0x780, s18;
	s21 =	smov.u32 s19  }
0x1d: {  	s19 =	sadd.s32 $0x2000, s19;
	s28 =	sadd.s32 $0x580, s18;
	s22 =	sadd.s32 $0x800, s18;
	(v2sf) =	vpush v0, $0x7  }
0x1e: {  	s30 =	sadd.s32 $0x480, s18;
	s26 =	sadd.s32 $0x600, s18;
	s23 =	sadd.s32 $0x880, s18  }
0x1f: {  	s0 =	sadd.s32 $0x200, s18;
	s1 =	sadd.s32 $0x400, s18;
	(v2sf) =	vpush v0, $0x8  }
0x20: {  	s16 =	sadd.s32 $0x500, s18;
	s20 =	sadd.s32 $0x10, s20  }
0x21: {  	s4 =	sadd.s32 $0x300, s18;
	s25 =	sadd.s32 $0x700, s18;
	s29 =	spop (v2sf);
	(v2sf) =	vpush v0, $0x9  }
0x22: {  	s5 =	sand.u32 $0x1FFFFFF0, s29;
	s29 =	sadd.s32 $0x680, s18;
	s6 =	spop (v2sf)  }
0x23: {  	s5 =	sadd.s32 s3, s5;
	s6 =	sand.u32 $0x1FFFFFF0, s6;
	s7 =	spop (v2sf);
	(v2sf) =	vpush v0, $0xA  }
0x24: {  	[tilespmem:s0], [sflag:$0x1] =	stream.linear.gather [hbm4b:s5+s2], $0x80, $0x38;
	[tilespmem:$0x10200] =	vst v63  }
0x25: {  	s0 =	sadd.s32 s3, s6;
	s5 =	sadd.s32 $0x380, s18;
	s6 =	spop (v2sf);
	(v2sf) =	vpush v0, $0xB  }
0x26: {  	[tilespmem:s31], [sflag:$0x2] =	stream.linear.gather [hbm4b:s0+s2], $0x80, $0x38;
	[tilespmem:$0x10200] =	vst v63  }
0x27: {  	s0 =	sand.u32 $0x1FFFFFF0, s7;
	s6 =	sand.u32 $0x1FFFFFF0, s6;
	s7 =	spop (v2sf);
	(v2sf) =	vpush v0, $0xC  }
0x28: {  	s0 =	sadd.s32 s3, s0;
	s7 =	sand.u32 $0x1FFFFFF0, s7;
	s31 =	spop (v2sf)  }
0x29: {  	[tilespmem:s4], [sflag:$0x3] =	stream.linear.gather [hbm4b:s0+s2], $0x80, $0x38;
	(v2sf) =	vpush v0, $0xD;
	[tilespmem:$0x10200] =	vst v63  }
0x2a: {  	s0 =	sadd.s32 s3, s7;
	s4 =	sand.u32 $0x1FFFFFF0, s31;
	s7 =	spop (v2sf)  }
0x2b: {  	[tilespmem:s5], [sflag:$0x4] =	stream.linear.gather [hbm4b:s0+s2], $0x80, $0x38;
	(v2sf) =	vpush v0, $0xE;
	[tilespmem:$0x10200] =	vst v63  }
0x2c: {  	s0 =	sadd.s32 s3, s6;
	s5 =	sand.u32 $0x1FFFFFF0, s7;
	s6 =	spop (v2sf)  }
0x2d: {  	[tilespmem:s1], [sflag:$0x5] =	stream.linear.gather [hbm4b:s0+s2], $0x80, $0x38;
	(v2sf) =	vpush v0, $0xF;
	[tilespmem:$0x10200] =	vst v63  }
0x2e: {  	s0 =	sadd.s32 s3, s4;
	s1 =	sand.u32 $0x1FFFFFF0, s6;
	s4 =	spop (v2sf)  }
0x2f: {  	[tilespmem:s30], [sflag:$0x6] =	stream.linear.gather [hbm4b:s0+s2], $0x80, $0x38;
	[tilespmem:$0x10200] =	vst v63  }
0x30: {  	s0 =	sadd.s32 s3, s5;
	s4 =	sand.u32 $0x1FFFFFF0, s4;
	s5 =	spop (v2sf)  }
0x31: {  	[tilespmem:s16], [sflag:$0x7] =	stream.linear.gather [hbm4b:s0+s2], $0x80, $0x38;
	[tilespmem:$0x10200] =	vst v63  }
0x32: {  	s0 =	sadd.s32 s3, s1;
	s1 =	sand.u32 $0x1FFFFFF0, s5;
	s5 =	spop (v2sf)  }
0x33: {  	[tilespmem:s28], [sflag:$0x8] =	stream.linear.gather [hbm4b:s0+s2], $0x80, $0x38;
	[tilespmem:$0x10200] =	vst v63  }
0x34: {  	s0 =	sadd.s32 s3, s4;
	s4 =	sand.u32 $0x1FFFFFF0, s5;
	s5 =	spop (v2sf)  }
0x35: {  	[tilespmem:s26], [sflag:$0x1] =	stream.linear.gather [hbm4b:s0+s2], $0x80, $0x38;
	[tilespmem:$0x10200] =	vst v63  }
0x36: {  	s0 =	sadd.s32 s3, s1;
	s1 =	sand.u32 $0x1FFFFFF0, s5;
	s5 =	spop (v2sf)  }
0x37: {  	[tilespmem:s29], [sflag:$0x2] =	stream.linear.gather [hbm4b:s0+s2], $0x80, $0x38;
	[tilespmem:$0x10200] =	vst v63  }
0x38: {  	s0 =	sadd.s32 s3, s4;
	s4 =	sand.u32 $0x1FFFFFF0, s5;
	s5 =	spop (v2sf)  }
0x39: {  	[tilespmem:s25], [sflag:$0x3] =	stream.linear.gather [hbm4b:s0+s2], $0x80, $0x38;
	[tilespmem:$0x10200] =	vst v63  }
0x3a: {  	s0 =	sadd.s32 s3, s1;
	s1 =	sand.u32 $0x1FFFFFF0, s5;
	s5 =	spop (v2sf)  }
0x3b: {  	[tilespmem:s24], [sflag:$0x4] =	stream.linear.gather [hbm4b:s0+s2], $0x80, $0x38;
	[tilespmem:$0x10200] =	vst v63  }
0x3c: {  	s0 =	sadd.s32 s3, s4;
	s4 =	sand.u32 $0x1FFFFFF0, s5;
	s5 =	spop (v2sf)  }
0x3d: {  	[tilespmem:s22], [sflag:$0x5] =	stream.linear.gather [hbm4b:s0+s2], $0x80, $0x38;
	[tilespmem:$0x10200] =	vst v63  }
0x3e: {  	s0 =	sadd.s32 s3, s1;
	s1 =	sand.u32 $0x1FFFFFF0, s5  }
0x3f: {  	[tilespmem:s23], [sflag:$0x6] =	stream.linear.gather [hbm4b:s0+s2], $0x80, $0x38;
	[tilespmem:$0x10200] =	vst v63  }
0x40: {  	s4 =	sadd.s32 s3, s4;
	s0 =	sadd.s32 $0x900, s18  }
0x41: {  	[tilespmem:s0], [sflag:$0x7] =	stream.linear.gather [hbm4b:s4+s2], $0x80, $0x38;
	[tilespmem:$0x10200] =	vst v63  }
0x42: {  	s1 =	sadd.s32 s3, s1;
	s0 =	sadd.s32 $0x980, s18  }
0x43: {  	[tilespmem:s0], [sflag:$0x8] =	stream.linear.gather [hbm4b:s1+s2], $0x80, $0x38;
	[tilespmem:$0x10200] =	vst v63  }
0x44: {  	v0 =	vld [tilespmem:s20+$0x0];
	_ =	sdelay $0x4  }
0x45: {  	v0 =	vshll.u32 v0, $0x4  }
0x46: {  	(v2sf) =	vpush v0, $0x0  }
0x47: {  	(v2sf) =	vpush v0, $0x1  }
0x48: {  	(v2sf) =	vpush v0, $0x2;
	_ =	sdelay $0x1  }
0x49: {  	(v2sf) =	vpush v0, $0x4  }
.Ltmp0:
0x4a: {  	(pc) =	sbr.rel @p0 .LBB2_2-.Ltmp0, $3  }
0x4b: {  	(v2sf) =	vpush v0, $0x3  }
0x4c: {  	(v2sf) =	vpush v0, $0x5;
	_ =	sdelay $0x1  }
0x4d: {  	s18 =	sshra.s32 s21, $0x2;
	(v2sf) =	vpush v0, $0x6  }
0x4e: {  	_ =	sdelay $0x5  }
0x4f: {  	s0 =	spop (v2sf)  }
0x50: {  	s1 =	spop (v2sf)  }
0x51: {  	s19 =	spop (v2sf)  }
0x52: {  	s22 =	spop (v2sf);
	(v2sf) =	vpush v0, $0x7  }
0x53: {  	s0 =	sand.u32 $0x1FFFFFF0, s0  }
0x54: {  	s4 =	sadd.s32 $0x200, s18;
	s0 =	sadd.s32 s3, s0  }
0x55: {  	[tilespmem:s4], [sflag:$0x1] =	stream.linear.gather [hbm4b:s0+s2], $0x80, $0x38;
	[tilespmem:$0x10200] =	vst v63  }
0x56: {  	s1 =	sand.u32 $0x1FFFFFF0, s1;
	s23 =	spop (v2sf);
	(v2sf) =	vpush v0, $0x8  }
0x57: {  	s16 =	sadd.s32 $0x280, s18;
	s1 =	sadd.s32 s3, s1  }
0x58: {  	[tilespmem:s16], [sflag:$0x2] =	stream.linear.gather [hbm4b:s1+s2], $0x80, $0x38;
	[tilespmem:$0x10200] =	vst v63  }
0x59: {  	s20 =	sand.u32 $0x1FFFFFF0, s19;
	s28 =	spop (v2sf);
	(v2sf) =	vpush v0, $0x9  }
0x5a: {  	s21 =	sadd.s32 $0x300, s18;
	s0 =	sadd.s32 s3, s20  }
0x5b: {  	[tilespmem:s21], [sflag:$0x3] =	stream.linear.gather [hbm4b:s0+s2], $0x80, $0x38;
	[tilespmem:$0x10200] =	vst v63  }
0x5c: {  	s0 =	sand.u32 $0x1FFFFFF0, s23;
	s30 =	spop (v2sf);
	(v2sf) =	vpush v0, $0xA  }
0x5d: {  	s24 =	sadd.s32 $0x380, s18;
	s25 =	sand.u32 $0x1FFFFFF0, s22;
	s0 =	sadd.s32 s3, s0  }
0x5e: {  	[tilespmem:s24], [sflag:$0x4] =	stream.linear.gather [hbm4b:s0+s2], $0x80, $0x38;
	[tilespmem:$0x10200] =	vst v63  }
0x5f: {  	s26 =	sadd.s32 $0x400, s18;
	s0 =	sadd.s32 s3, s25  }
0x60: {  	[tilespmem:s26], [sflag:$0x5] =	stream.linear.gather [hbm4b:s0+s2], $0x80, $0x38;
	[tilespmem:$0x10200] =	vst v63  }
0x61: {  	s0 =	sand.u32 $0x1FFFFFF0, s28;
	s1 =	spop (v2sf);
	(v2sf) =	vpush v0, $0xB  }
0x62: {  	s29 =	sadd.s32 $0x480, s18;
	s0 =	sadd.s32 s3, s0  }
0x63: {  	[tilespmem:s29], [sflag:$0x6] =	stream.linear.gather [hbm4b:s0+s2], $0x80, $0x38;
	[tilespmem:$0x10200] =	vst v63  }
0x64: {  	s0 =	sand.u32 $0x1FFFFFF0, s30  }
0x65: {  	s31 =	sadd.s32 $0x500, s18;
	s0 =	sadd.s32 s3, s0;
	s5 =	spop (v2sf);
	(v2sf) =	vpush v0, $0xC  }
0x66: {  	[tilespmem:s31], [sflag:$0x7] =	stream.linear.gather [hbm4b:s0+s2], $0x80, $0x38;
	[tilespmem:$0x10200] =	vst v63  }
0x67: {  	s0 =	sand.u32 $0x1FFFFFF0, s1  }
0x68: {  	s4 =	sadd.s32 $0x580, s18;
	s0 =	sadd.s32 s3, s0;
	s7 =	spop (v2sf);
	(v2sf) =	vpush v0, $0xD  }
0x69: {  	[tilespmem:s4], [sflag:$0x8] =	stream.linear.gather [hbm4b:s0+s2], $0x80, $0x38;
	[tilespmem:$0x10200] =	vst v63  }
0x6a: {  	s0 =	sand.u32 $0x1FFFFFF0, s5  }
0x6b: {  	s6 =	sadd.s32 $0x600, s18;
	s0 =	sadd.s32 s3, s0;
	s19 =	spop (v2sf);
	(v2sf) =	vpush v0, $0xE  }
0x6c: {  	[tilespmem:s6], [sflag:$0x1] =	stream.linear.gather [hbm4b:s0+s2], $0x80, $0x38;
	[tilespmem:$0x10200] =	vst v63  }
0x6d: {  	s0 =	sand.u32 $0x1FFFFFF0, s7  }
0x6e: {  	s16 =	sadd.s32 $0x680, s18;
	s0 =	sadd.s32 s3, s0  }
0x6f: {  	[tilespmem:s16], [sflag:$0x2] =	stream.linear.gather [hbm4b:s0+s2], $0x80, $0x38;
	[tilespmem:$0x10200] =	vst v63  }
0x70: {  	s0 =	sand.u32 $0x1FFFFFF0, s19;
	s21 =	spop (v2sf);
	(v2sf) =	vpush v0, $0xF  }
0x71: {  	s20 =	sadd.s32 $0x700, s18;
	s0 =	sadd.s32 s3, s0  }
0x72: {  	[tilespmem:s20], [sflag:$0x3] =	stream.linear.gather [hbm4b:s0+s2], $0x80, $0x38;
	[tilespmem:$0x10200] =	vst v63  }
0x73: {  	s0 =	sand.u32 $0x1FFFFFF0, s21  }
0x74: {  	s22 =	sadd.s32 $0x780, s18;
	s0 =	sadd.s32 s3, s0;
	s23 =	spop (v2sf)  }
0x75: {  	[tilespmem:s22], [sflag:$0x4] =	stream.linear.gather [hbm4b:s0+s2], $0x80, $0x38;
	[tilespmem:$0x10200] =	vst v63  }
0x76: {  	s0 =	sand.u32 $0x1FFFFFF0, s23  }
0x77: {  	s24 =	sadd.s32 $0x800, s18;
	s25 =	spop (v2sf);
	s0 =	sadd.s32 s3, s0  }
0x78: {  	[tilespmem:s24], [sflag:$0x5] =	stream.linear.gather [hbm4b:s0+s2], $0x80, $0x38;
	[tilespmem:$0x10200] =	vst v63  }
0x79: {  	s0 =	sand.u32 $0x1FFFFFF0, s25  }
0x7a: {  	s26 =	sadd.s32 $0x880, s18;
	s28 =	spop (v2sf);
	s0 =	sadd.s32 s3, s0  }
0x7b: {  	[tilespmem:s26], [sflag:$0x6] =	stream.linear.gather [hbm4b:s0+s2], $0x80, $0x38;
	[tilespmem:$0x10200] =	vst v63  }
0x7c: {  	s0 =	sand.u32 $0x1FFFFFF0, s28  }
0x7d: {  	s29 =	sadd.s32 $0x900, s18;
	s0 =	sadd.s32 s3, s0  }
0x7e: {  	[tilespmem:s29], [sflag:$0x7] =	stream.linear.gather [hbm4b:s0+s2], $0x80, $0x38;
	[tilespmem:$0x10200] =	vst v63  }
0x7f: {  	s30 =	spop (v2sf)  }
0x80: {  	s0 =	sand.u32 $0x1FFFFFF0, s30  }
0x81: {  	s31 =	sadd.s32 $0x980, s18;
	s0 =	sadd.s32 s3, s0  }
0x82: {  	[tilespmem:s31], [sflag:$0x8] =	stream.linear.gather [hbm4b:s0+s2], $0x80, $0x38;
	[tilespmem:$0x10200] =	vst v63  }
0x83: {  	_ =	swait.ge [sflag:s8], $0x80  }
0x84: {  	[sflag:s8] =	ssyncset.done $0x0  }
0x85: {  	[sflag:s8] =	ssyncadd.s32 $0xFFFFFF80  }
0x86: {  	_ =	swait.ge [sflag:s9], $0x80  }
0x87: {  	[sflag:s9] =	ssyncset.done $0x0  }
0x88: {  	[sflag:s9] =	ssyncadd.s32 $0xFFFFFF80  }
0x89: {  	_ =	swait.ge [sflag:s10], $0x80  }
0x8a: {  	[sflag:s10] =	ssyncset.done $0x0  }
0x8b: {  	[sflag:s10] =	ssyncadd.s32 $0xFFFFFF80  }
0x8c: {  	_ =	swait.ge [sflag:s11], $0x80  }
0x8d: {  	[sflag:s11] =	ssyncset.done $0x0  }
0x8e: {  	[sflag:s11] =	ssyncadd.s32 $0xFFFFFF80  }
0x8f: {  	_ =	swait.ge [sflag:s12], $0x80  }
0x90: {  	[sflag:s12] =	ssyncset.done $0x0  }
0x91: {  	[sflag:s12] =	ssyncadd.s32 $0xFFFFFF80  }
0x92: {  	_ =	swait.ge [sflag:s13], $0x80  }
0x93: {  	[sflag:s13] =	ssyncset.done $0x0  }
0x94: {  	[sflag:s13] =	ssyncadd.s32 $0xFFFFFF80  }
0x95: {  	_ =	swait.ge [sflag:s14], $0x80  }
0x96: {  	[sflag:s14] =	ssyncset.done $0x0  }
0x97: {  	[sflag:s14] =	ssyncadd.s32 $0xFFFFFF80  }
0x98: {  	_ =	swait.ge [sflag:s15], $0x80  }
0x99: {  	s18 =	simm.s32 $0x3F;
	[sflag:s15] =	ssyncset.done $0x0  }
.LBB2_4:
0x9a: {  	p0 =	sne.s32 s18, $0x1;
	s18 =	sadd.s32 $0xFFFFFFFF, s18;
	[sflag:s15] =	ssyncadd.s32 $0xFFFFFF80  }
0x9b: {  	_ =	swait.ge [sflag:s8], $0x80  }
0x9c: {  	[sflag:s8] =	ssyncset.done $0x0  }
0x9d: {  	[sflag:s8] =	ssyncadd.s32 $0xFFFFFF80  }
0x9e: {  	_ =	swait.ge [sflag:s9], $0x80  }
0x9f: {  	[sflag:s9] =	ssyncset.done $0x0  }
0xa0: {  	[sflag:s9] =	ssyncadd.s32 $0xFFFFFF80  }
0xa1: {  	_ =	swait.ge [sflag:s10], $0x80  }
0xa2: {  	[sflag:s10] =	ssyncset.done $0x0  }
0xa3: {  	[sflag:s10] =	ssyncadd.s32 $0xFFFFFF80  }
0xa4: {  	_ =	swait.ge [sflag:s11], $0x80  }
0xa5: {  	[sflag:s11] =	ssyncset.done $0x0  }
0xa6: {  	[sflag:s11] =	ssyncadd.s32 $0xFFFFFF80  }
0xa7: {  	_ =	swait.ge [sflag:s12], $0x80  }
0xa8: {  	[sflag:s12] =	ssyncset.done $0x0  }
0xa9: {  	[sflag:s12] =	ssyncadd.s32 $0xFFFFFF80  }
0xaa: {  	_ =	swait.ge [sflag:s13], $0x80  }
0xab: {  	[sflag:s13] =	ssyncset.done $0x0  }
0xac: {  	[sflag:s13] =	ssyncadd.s32 $0xFFFFFF80  }
.Ltmp1:
0xad: {  	_ =	swait.ge [sflag:s14], $0x80;
	(pc) =	sbr.rel @p0 .LBB2_4-.Ltmp1, $4  }
0xae: {  	[sflag:s14] =	ssyncset.done $0x0  }
0xaf: {  	[sflag:s14] =	ssyncadd.s32 $0xFFFFFF80  }
0xb0: {  	_ =	swait.ge [sflag:s15], $0x80  }
0xb1: {  	[sflag:s15] =	ssyncset.done $0x0  }
0xb2: {  	[sflag:s15] =	ssyncadd.s32 $0xFFFFFF80;
	s18 =	simm.s32 $0x0  }
0xb3: {  	v1 =	vld [tilespmem:s18+$0x200]  }
0xb4: {  	v2 =	vld [tilespmem:s18+$0x280]  }
0xb5: {  	v4 =	vld [tilespmem:s18+$0x300]  }
0xb6: {  	v3 =	vld [tilespmem:s18+$0x380]  }
0xb7: {  	v0 =	vld [tilespmem:s18+$0x400]  }
0xb8: {  	v5 =	vmax.f32 v1, $-1.000000000e+00;
	v1 =	vld [tilespmem:s18+$0x480]  }
0xb9: {  	s19 =	simm.s32 $0x1000;
	s1 =	simm.s32 $0x9;
	v6 =	vmax.f32 v2, $-1.000000000e+00;
	v2 =	vld [tilespmem:s18+$0x500];
	v5 =	vmin.f32 v5, $1.000000000e+00  }
.LBB2_6:
0xba: {  	s0 =	sshra.s32 s19, $0x2;
	p0 =	sne.s32 s19, $0x3F000;
	[tilespmem:s18+$0x200] =	vst v5;
	v5 =	vmin.f32 v6, $1.000000000e+00;
	v4 =	vmax.f32 v4, $-1.000000000e+00;
	v6 =	vld [tilespmem:s18+$0x580]  }
0xbb: {  	v7 =	vld [tilespmem:s0+$0x200];
	[tilespmem:s18+$0x280] =	vst v5;
	v4 =	vmin.f32 v4, $1.000000000e+00;
	v3 =	vmax.f32 v3, $-1.000000000e+00  }
0xbc: {  	v8 =	vld [tilespmem:s0+$0x280];
	[tilespmem:s18+$0x300] =	vst v4;
	v3 =	vmin.f32 v3, $1.000000000e+00;
	v0 =	vmax.f32 v0, $-1.000000000e+00  }
.Ltmp2:
0xbd: {  	v4 =	vld [tilespmem:s0+$0x300];
	[tilespmem:s18+$0x380] =	vst v3;
	v0 =	vmin.f32 v0, $1.000000000e+00;
	v1 =	vmax.f32 v1, $-1.000000000e+00;
	(pc) =	sbr.rel @p0 .LBB2_6-.Ltmp2, $4  }
0xbe: {  	v3 =	vld [tilespmem:s0+$0x380];
	[tilespmem:s18+$0x400] =	vst v0;
	v1 =	vmin.f32 v1, $1.000000000e+00;
	v2 =	vmax.f32 v2, $-1.000000000e+00  }
0xbf: {  	v0 =	vld [tilespmem:s0+$0x400];
	[tilespmem:s18+$0x480] =	vst v1;
	v2 =	vmin.f32 v2, $1.000000000e+00;
	v5 =	vmax.f32 v6, $-1.000000000e+00  }
0xc0: {  	v6 =	vmax.f32 v7, $-1.000000000e+00;
	v1 =	vld [tilespmem:s0+$0x480];
	[tilespmem:s18+$0x500] =	vst v2;
	v7 =	vmin.f32 v5, $1.000000000e+00  }
0xc1: {  	s19 =	sadd.s32 $0x1000, s19;
	v5 =	vmin.f32 v6, $1.000000000e+00;
	v6 =	vmax.f32 v8, $-1.000000000e+00;
	v2 =	vld [tilespmem:s0+$0x500];
	[tilespmem:s18+$0x580] =	vst v7;
	s18 =	smov.u32 s0  }
0xc2: {  	[tilespmem:s18+$0x200] =	vst v5;
	v57 =	vmin.f32 v6, $1.000000000e+00;
	v4 =	vmax.f32 v4, $-1.000000000e+00;
	v58 =	vld [tilespmem:s18+$0x580]  }
0xc3: {  	[tilespmem:s18+$0x280] =	vst v57;
	v4 =	vmin.f32 v4, $1.000000000e+00;
	v3 =	vmax.f32 v3, $-1.000000000e+00  }
0xc4: {  	[tilespmem:s18+$0x300] =	vst v4;
	v3 =	vmin.f32 v3, $1.000000000e+00;
	v0 =	vmax.f32 v0, $-1.000000000e+00  }
0xc5: {  	[tilespmem:s18+$0x380] =	vst v3;
	v0 =	vmin.f32 v0, $1.000000000e+00;
	v1 =	vmax.f32 v1, $-1.000000000e+00  }
0xc6: {  	[tilespmem:s18+$0x400] =	vst v0;
	v59 =	vmin.f32 v1, $1.000000000e+00;
	v60 =	vmax.f32 v2, $-1.000000000e+00  }
0xc7: {  	[tilespmem:s18+$0x480] =	vst v59;
	v61 =	vmin.f32 v60, $1.000000000e+00;
	v62 =	vmax.f32 v58, $-1.000000000e+00  }
0xc8: {  	[tilespmem:s18+$0x500] =	vst v61;
	v63 =	vmin.f32 v62, $1.000000000e+00  }
0xc9: {  	s0 =	rddreg [dreg:$0x4];
	s4 =	simm.s32 $0x200;
	[tilespmem:s18+$0x580] =	vst v63  }
0xca: {  	[hbm4b:s0+s2] =	stream.linear.scatter [tilespmem:s4], [sflag:$0x9], $0x10000, $0x38;
	[tilespmem:$0x10200] =	vst v63  }
0xcb: {  	_ =	swait.ge [sflag:s1], $0x10000  }
0xcc: {  	s17 =	sadd.s32 $0x1, s17;
	s31 =	rddreg [dreg:$0x5]  }
0xcd: {  	p0 =	sne.s32 s17, s31  }
.Ltmp3:
0xce: {  	_ = 	snop;
	(pc) =	sbr.rel @p0 .LBB2_1-.Ltmp3, $3  }
0xcf: {  	_ =	sdelay $0x1  }
0xd0: {  	[sflag:s1] =	ssyncset.done $0x0  }
0xd1: {  	[sflag:s1] =	ssyncadd.s32 $0xFFFF0000  }
0xd2: {  	_ =	sfence.sel $0x180000  }
0xd3: {  	[bflag:$0x0] =	sbarrier.arrive $0xFFFF  }
0xd4: {  	_ =	strace $0x90000047  }
0xd5: {  	s0 =	stileid.u32;
	[bflag:$0x2] =	sbarrier.arrive $0xFFFF  }
0xd6: {  	p0 =	sne.s32 s0, $0x0;
	s0 =	rddreg [dreg:$0x2]  }
0xd7: {  	s0 =	sadd.s32 @!p0 $0x100000, s0  }
0xd8: {  	[sflag:s0] =	ssyncadd.tile.s32 @!p0 $0x1;
	_ =	shalt  }
.Lfunc_end2:
_tile_overlayer_lowered:
.L_overlay_start_2:
0xd9: {  	(tag) =	ssettag $0x2  }
0xda: {  	s0 =	rddreg [dreg:$0x0];
	s2 =	stileid.u32  }
0xdb: {  	s1 =	rddreg [dreg:$0x1];
	p0 =	sne.s32 s2, $0x0  }
0xdc: {  	s3 =	rddreg [dreg:$0x2];
	[bflag:$0x3] =	sbarrier.arrive $0xFFFF;
	s2 =	simm.s32 @!p0 $0x1C09  }
0xdd: {  	[timem:s3], [sflag:s2] =	dma.local @!p0 [hbm:s0], s1  }
0xde: {  	s0 =	simm.s32 @!p0 $0x9  }
0xdf: {  	_ =	swait.ge @!p0 [sflag:s0], s1  }
0xe0: {  	s1 =	ssub.s32 @!p0 $0x0, s1;
	[sflag:s0] =	ssyncset.done @!p0 $0x0  }
0xe1: {  	[sflag:s0] =	ssyncadd.s32 @!p0 s1  }
0xe2: {  	[bflag:$0x3] =	sbarrier.arrive $0xFFFF  }
0xe3: {  	_ =	shalt  }

</sc_bundles>
